<compile_context>
chip_gen: v7x
topology: tpu7x:2x2x1
jax: 0.10.2.dev20260603
libtpu: 0.0.44.dev20260713+nightly
codegen_flags: <defaults>
</compile_context>

<pallas_src>
import functools

import jax
import jax.numpy as jnp
from jax import lax
from jax.experimental import pallas as pl
from jax.experimental.pallas import tpu as pltpu
from jax.experimental.pallas import tpu_sc as plsc

B = 160000
D = 256
NC = 2
NS = 16
NW = NC * NS
BPW = B // NW
C = 160
NFULL = BPW // C
TAIL = BPW - NFULL * C
NBUF = 3


def _gather_body(table_hbm, idx_hbm, out_hbm, idx_v, rows0, rows1, rows2,
                 gsem0, gsem1, gsem2, wsem0, wsem1, wsem2):
    wid = lax.axis_index("s") * NC + lax.axis_index("c")
    base = wid * BPW
    rows = (rows0, rows1, rows2)
    gsem = (gsem0, gsem1, gsem2)
    wsem = (wsem0, wsem1, wsem2)
    table = table_hbm.at[0]
    out = out_hbm.at[0]

    pltpu.sync_copy(idx_hbm.at[pl.ds(base, BPW)], idx_v)

    def gather_desc(s, g, n=C):
        dst = rows[s] if n == C else rows[s].at[pl.ds(0, n)]
        return pltpu.make_async_copy(
            table.at[idx_v.at[pl.ds(g * C, n)]], dst, gsem[s])

    def write_desc(s, g, n=C):
        src = rows[s] if n == C else rows[s].at[pl.ds(0, n)]
        return pltpu.make_async_copy(
            src, out.at[pl.ds(base + g * C, n)], wsem[s])

    gather_desc(0, 0).start()
    gather_desc(1, 1).start()

    def outer(k, carry):
        for b in range(NBUF):
            g = NBUF * k + b

            @pl.when(g + 2 < NFULL)
            def _():
                @pl.when(g > 0)
                def _():
                    write_desc((b + 2) % NBUF, g - 1).wait()
                gather_desc((b + 2) % NBUF, g + 2).start()

            @pl.when(g < NFULL)
            def _():
                gather_desc(b, g).wait()
                write_desc(b, g).start()
        return carry

    lax.fori_loop(0, (NFULL + NBUF - 1) // NBUF, outer, 0)

    ts = (NFULL - 3) % NBUF
    write_desc(ts, NFULL - 3).wait()
    gather_desc(ts, NFULL, TAIL).start()
    gather_desc(ts, NFULL, TAIL).wait()
    write_desc(ts, NFULL, TAIL).start()
    write_desc((NFULL - 2) % NBUF, NFULL - 2).wait()
    write_desc((NFULL - 1) % NBUF, NFULL - 1).wait()
    write_desc(ts, NFULL, TAIL).wait()


_sc_gather = functools.partial(
    pl.kernel,
    out_type=jax.ShapeDtypeStruct((1, B, D), jnp.float32),
    mesh=plsc.VectorSubcoreMesh(core_axis_name="c", subcore_axis_name="s"),
    scratch_types=[
        pltpu.VMEM((BPW,), jnp.int32),
        pltpu.VMEM((C, D), jnp.float32),
        pltpu.VMEM((C, D), jnp.float32),
        pltpu.VMEM((C, D), jnp.float32),
        pltpu.SemaphoreType.DMA,
        pltpu.SemaphoreType.DMA,
        pltpu.SemaphoreType.DMA,
        pltpu.SemaphoreType.DMA,
        pltpu.SemaphoreType.DMA,
        pltpu.SemaphoreType.DMA,
    ],
)(_gather_body)


def kernel(features, neighbor_indices):
    return _sc_gather(features, neighbor_indices.reshape(B))

# --- scband reference (transcript-rebuilt; emitter-appended) ---
"""Pipeline reference for scband-mean-aggregator-27212912787584 (READ-ONLY COPY).

The authoritative reference and input builder live on the scoring server;
editing this copy changes nothing except your own understanding.
"""

import jax, jax.numpy as jnp
import numpy as np


def setup_inputs(seed: int = 0) -> dict:
    key = jax.random.key(seed)
    k1, k2 = jax.random.split(key)
    features = jax.random.normal(k1, (1, 10000, 256), dtype=jnp.float32)
    neighbor_indices = jax.random.randint(k2, (1, 160000, 1), 0, 10000, dtype=jnp.int32)
    return {"features": features, "neighbor_indices": neighbor_indices}


def reference(features, neighbor_indices):
    # Faithful translation of:
    #   neighbors = torch.gather(features.unsqueeze(2).expand(-1,-1,-1,D), dim=1,
    #                            index=neighbor_indices.unsqueeze(-1).expand(-1,-1,-1,D))
    #   agg = neighbors.mean(dim=2)
    B, N, D = features.shape
    expanded = jnp.broadcast_to(features[:, :, None, :], (B, N, 1, D))  # [B, N, 1, D]
    idx = jnp.broadcast_to(
        neighbor_indices[..., None],
        neighbor_indices.shape + (D,),
    )  # [B, M, K, D]
    gathered = jnp.take_along_axis(expanded, idx, axis=1)  # [B, M, K, D]
    agg = jnp.mean(gathered, axis=2)  # [B, M, D]
    return agg

if __name__ == "__main__":
    import jax
    _d = setup_inputs()
    print(jax.jit(kernel)(*tuple(_d.values())))

</pallas_src>

<mosaic_0001>
#map = affine_map<(d0, d1) -> (0, 0, 0)>
#map1 = affine_map<(d0, d1) -> (0)>
module attributes {stable_mosaic.version = 14 : i64} {
  func.func @_gather_body(%arg0: i32, %arg1: i32, %arg2: memref<1x10000x256xf32, #tpu.memory_space<hbm>>, %arg3: memref<160000xi32, #tpu.memory_space<hbm>>, %arg4: memref<1x160000x256xf32, #tpu.memory_space<hbm>>, %arg5: memref<5000xi32, #tpu.memory_space<vmem>>, %arg6: memref<160x256xf32, #tpu.memory_space<vmem>>, %arg7: memref<160x256xf32, #tpu.memory_space<vmem>>, %arg8: memref<160x256xf32, #tpu.memory_space<vmem>>, %arg9: memref<!tpu.dma_semaphore, #tpu.memory_space<semaphore_mem>>, %arg10: memref<!tpu.dma_semaphore, #tpu.memory_space<semaphore_mem>>, %arg11: memref<!tpu.dma_semaphore, #tpu.memory_space<semaphore_mem>>, %arg12: memref<!tpu.dma_semaphore, #tpu.memory_space<semaphore_mem>>, %arg13: memref<!tpu.dma_semaphore, #tpu.memory_space<semaphore_mem>>, %arg14: memref<!tpu.dma_semaphore, #tpu.memory_space<semaphore_mem>>) attributes {dimension_semantics = [#tpu.dimension_semantics<core_parallel>, #tpu.dimension_semantics<subcore_parallel>], iteration_bounds = array<i64: 2, 16>, scalar_prefetch = 0 : i64, scratch_operands = 10 : i64, tpu.core_type = #tpu.core_type<sc_vector_subcore>, window_params = [{transform_indices = #map}, {transform_indices = #map1}, {transform_indices = #map}]} {
    %mul3A = arith.constant 2 : i32
    %mul3A_0 = arith.muli %arg1, %mul3A : i32
    %add3A = arith.addi %mul3A_0, %arg0 : i32
    %mul3A_1 = arith.constant 5000 : i32
    %mul3A_2 = arith.muli %add3A, %mul3A_1 : i32
    "tpu.region"() ({
      %run_scoped3A = tpu.sem_alloc : memref<!tpu.dma_semaphore, #tpu.memory_space<semaphore_mem>>
      %dma_start3A_141 = tpu.memref_slice %arg3[%mul3A_2] : memref<160000xi32, #tpu.memory_space<hbm>> -> memref<5000xi32, #tpu.memory_space<hbm>>
      %dma_start3A_142 = tpu.memref_slice %arg3[%mul3A_2] : memref<160000xi32, #tpu.memory_space<hbm>> -> memref<5000xi32, #tpu.memory_space<hbm>>
      tpu.enqueue_dma source(%dma_start3A_142 : memref<5000xi32, #tpu.memory_space<hbm>>) target(%arg5 : memref<5000xi32, #tpu.memory_space<vmem>>) target_semaphore(%run_scoped3A : memref<!tpu.dma_semaphore, #tpu.memory_space<semaphore_mem>>)
      %dma_wait3A_143 = tpu.memref_slice %arg3[%mul3A_2] : memref<160000xi32, #tpu.memory_space<hbm>> -> memref<5000xi32, #tpu.memory_space<hbm>>
      %dma_wait3A_144 = tpu.memref_slice %arg3[%mul3A_2] : memref<160000xi32, #tpu.memory_space<hbm>> -> memref<5000xi32, #tpu.memory_space<hbm>>
      tpu.wait_dma2 semaphore(%run_scoped3A : memref<!tpu.dma_semaphore, #tpu.memory_space<semaphore_mem>>) src(%dma_wait3A_144 : memref<5000xi32, #tpu.memory_space<hbm>>) dst(%arg5 : memref<5000xi32, #tpu.memory_space<vmem>>)
      tpu.yield
    }) : () -> ()
    %dma_start3A = arith.constant 0 : i32
    %dma_start3A_3 = arith.constant 0 : i32
    %dma_start3A_4 = tpu.memref_slice %arg5[%dma_start3A_3] : memref<5000xi32, #tpu.memory_space<vmem>> -> memref<160xi32, #tpu.memory_space<vmem>>
    %dma_start3A_5 = arith.constant 0 : i32
    %dma_start3A_6 = arith.constant 0 : i32
    %dma_start3A_7 = tpu.memref_slice %arg2[%dma_start3A, %dma_start3A_5, %dma_start3A_6] : memref<1x10000x256xf32, #tpu.memory_space<hbm>> -> memref<1x10000x256xf32, #tpu.memory_space<hbm>>
    %dma_start3A_8 = tpu.memref_squeeze %dma_start3A_7 : memref<1x10000x256xf32, #tpu.memory_space<hbm>> -> memref<10000x256xf32, #tpu.memory_space<hbm>>
    %dma_start3A_9 = arith.constant 0 : i32
    %dma_start3A_10 = arith.constant 0 : i32
    %dma_start3A_11 = tpu.memref_slice %dma_start3A_8[%dma_start3A_9, %dma_start3A_10] : memref<10000x256xf32, #tpu.memory_space<hbm>> -> memref<10000x256xf32, #tpu.memory_space<hbm>>
    tpu.enqueue_indirect_dma source(%dma_start3A_11 : memref<10000x256xf32, #tpu.memory_space<hbm>>) target(%arg6 : memref<160x256xf32, #tpu.memory_space<vmem>>) offsets(%dma_start3A_4 : memref<160xi32, #tpu.memory_space<vmem>>) semaphore(%arg9 : memref<!tpu.dma_semaphore, #tpu.memory_space<semaphore_mem>>)
    %dma_start3A_12 = arith.constant 0 : i32
    %dma_start3A_13 = arith.constant 160 : i32
    %dma_start3A_14 = tpu.memref_slice %arg5[%dma_start3A_13] : memref<5000xi32, #tpu.memory_space<vmem>> -> memref<160xi32, #tpu.memory_space<vmem>>
    %dma_start3A_15 = arith.constant 0 : i32
    %dma_start3A_16 = arith.constant 0 : i32
    %dma_start3A_17 = tpu.memref_slice %arg2[%dma_start3A_12, %dma_start3A_15, %dma_start3A_16] : memref<1x10000x256xf32, #tpu.memory_space<hbm>> -> memref<1x10000x256xf32, #tpu.memory_space<hbm>>
    %dma_start3A_18 = tpu.memref_squeeze %dma_start3A_17 : memref<1x10000x256xf32, #tpu.memory_space<hbm>> -> memref<10000x256xf32, #tpu.memory_space<hbm>>
    %dma_start3A_19 = arith.constant 0 : i32
    %dma_start3A_20 = arith.constant 0 : i32
    %dma_start3A_21 = tpu.memref_slice %dma_start3A_18[%dma_start3A_19, %dma_start3A_20] : memref<10000x256xf32, #tpu.memory_space<hbm>> -> memref<10000x256xf32, #tpu.memory_space<hbm>>
    tpu.enqueue_indirect_dma source(%dma_start3A_21 : memref<10000x256xf32, #tpu.memory_space<hbm>>) target(%arg7 : memref<160x256xf32, #tpu.memory_space<vmem>>) offsets(%dma_start3A_14 : memref<160xi32, #tpu.memory_space<vmem>>) semaphore(%arg10 : memref<!tpu.dma_semaphore, #tpu.memory_space<semaphore_mem>>)
    %scan3A = arith.constant 0 : i32
    %scan3A_22 = arith.constant 0 : i32
    %scan3A_23 = arith.constant 0 : i32
    %scan3A_24 = arith.constant 0 : i32
    %scan3A_25 = arith.constant 11 : i32
    %scan3A_26 = arith.addi %scan3A_24, %scan3A_25 : i32
    %scan3A_27 = arith.constant 1 : i32
    scf.for %scan3A_141 = %scan3A_24 to %scan3A_26 step %scan3A_27  : i32 {
      %mul3A_142 = arith.constant 3 : i32
      %mul3A_143 = arith.muli %mul3A_142, %scan3A_141 : i32
      %add3A_144 = arith.constant 0 : i32
      %add3A_145 = arith.addi %mul3A_143, %add3A_144 : i32
      %add3A_146 = arith.constant 2 : i32
      %add3A_147 = arith.addi %add3A_145, %add3A_146 : i32
      %lt3A = arith.constant 31 : i32
      %lt3A_148 = arith.cmpi slt, %add3A_147, %lt3A : i32
      %convert_element_type3A = arith.extui %lt3A_148 : i1 to i32
      %cond3A = arith.constant 0 : i32
      %cond3A_149 = arith.cmpi ne, %convert_element_type3A, %cond3A : i32
      scf.if %cond3A_149 {
        %gt3A = arith.constant 0 : i32
        %gt3A_187 = arith.cmpi sgt, %add3A_145, %gt3A : i32
        %convert_element_type3A_188 = arith.extui %gt3A_187 : i1 to i32
        %cond3A_189 = arith.constant 0 : i32
        %cond3A_190 = arith.cmpi ne, %convert_element_type3A_188, %cond3A_189 : i32
        scf.if %cond3A_190 {
          %sub3A = arith.constant 1 : i32
          %sub3A_203 = arith.subi %add3A_145, %sub3A : i32
          %mul3A_204 = arith.constant 160 : i32
          %mul3A_205 = arith.muli %sub3A_203, %mul3A_204 : i32
          %add3A_206 = arith.addi %mul3A_2, %mul3A_205 : i32
          %dma_wait3A_207 = arith.constant 0 : i32
          %dma_wait3A_208 = arith.constant 0 : i32
          %dma_wait3A_209 = tpu.memref_slice %arg4[%scan3A_22, %dma_wait3A_207, %dma_wait3A_208] : memref<1x160000x256xf32, #tpu.memory_space<hbm>> -> memref<1x160000x256xf32, #tpu.memory_space<hbm>>
          %dma_wait3A_210 = tpu.memref_squeeze %dma_wait3A_209 : memref<1x160000x256xf32, #tpu.memory_space<hbm>> -> memref<160000x256xf32, #tpu.memory_space<hbm>>
          %dma_wait3A_211 = arith.constant 0 : i32
          %dma_wait3A_212 = tpu.memref_slice %dma_wait3A_210[%add3A_206, %dma_wait3A_211] : memref<160000x256xf32, #tpu.memory_space<hbm>> -> memref<160x256xf32, #tpu.memory_space<hbm>>
          %dma_wait3A_213 = arith.constant 0 : i32
          %dma_wait3A_214 = arith.constant 0 : i32
          %dma_wait3A_215 = tpu.memref_slice %arg4[%scan3A_22, %dma_wait3A_213, %dma_wait3A_214] : memref<1x160000x256xf32, #tpu.memory_space<hbm>> -> memref<1x160000x256xf32, #tpu.memory_space<hbm>>
          %dma_wait3A_216 = tpu.memref_squeeze %dma_wait3A_215 : memref<1x160000x256xf32, #tpu.memory_space<hbm>> -> memref<160000x256xf32, #tpu.memory_space<hbm>>
          %dma_wait3A_217 = arith.constant 0 : i32
          %dma_wait3A_218 = tpu.memref_slice %dma_wait3A_216[%add3A_206, %dma_wait3A_217] : memref<160000x256xf32, #tpu.memory_space<hbm>> -> memref<160x256xf32, #tpu.memory_space<hbm>>
          tpu.wait_dma2 semaphore(%arg14 : memref<!tpu.dma_semaphore, #tpu.memory_space<semaphore_mem>>) src(%arg8 : memref<160x256xf32, #tpu.memory_space<vmem>>) dst(%dma_wait3A_218 : memref<160x256xf32, #tpu.memory_space<hbm>>)
        } else {
        }
        %add3A_191 = arith.constant 2 : i32
        %add3A_192 = arith.addi %add3A_145, %add3A_191 : i32
        %mul3A_193 = arith.constant 160 : i32
        %mul3A_194 = arith.muli %add3A_192, %mul3A_193 : i32
        %dma_start3A_195 = tpu.memref_slice %arg5[%mul3A_194] : memref<5000xi32, #tpu.memory_space<vmem>> -> memref<160xi32, #tpu.memory_space<vmem>>
        %dma_start3A_196 = arith.constant 0 : i32
        %dma_start3A_197 = arith.constant 0 : i32
        %dma_start3A_198 = tpu.memref_slice %arg2[%scan3A_23, %dma_start3A_196, %dma_start3A_197] : memref<1x10000x256xf32, #tpu.memory_space<hbm>> -> memref<1x10000x256xf32, #tpu.memory_space<hbm>>
        %dma_start3A_199 = tpu.memref_squeeze %dma_start3A_198 : memref<1x10000x256xf32, #tpu.memory_space<hbm>> -> memref<10000x256xf32, #tpu.memory_space<hbm>>
        %dma_start3A_200 = arith.constant 0 : i32
        %dma_start3A_201 = arith.constant 0 : i32
        %dma_start3A_202 = tpu.memref_slice %dma_start3A_199[%dma_start3A_200, %dma_start3A_201] : memref<10000x256xf32, #tpu.memory_space<hbm>> -> memref<10000x256xf32, #tpu.memory_space<hbm>>
        tpu.enqueue_indirect_dma source(%dma_start3A_202 : memref<10000x256xf32, #tpu.memory_space<hbm>>) target(%arg8 : memref<160x256xf32, #tpu.memory_space<vmem>>) offsets(%dma_start3A_195 : memref<160xi32, #tpu.memory_space<vmem>>) semaphore(%arg11 : memref<!tpu.dma_semaphore, #tpu.memory_space<semaphore_mem>>)
      } else {
      }
      %lt3A_150 = arith.constant 31 : i32
      %lt3A_151 = arith.cmpi slt, %add3A_145, %lt3A_150 : i32
      %convert_element_type3A_152 = arith.extui %lt3A_151 : i1 to i32
      %cond3A_153 = arith.constant 0 : i32
      %cond3A_154 = arith.cmpi ne, %convert_element_type3A_152, %cond3A_153 : i32
      scf.if %cond3A_154 {
        %mul3A_187 = arith.constant 160 : i32
        %mul3A_188 = arith.muli %add3A_145, %mul3A_187 : i32
        %dma_wait3A_189 = tpu.memref_slice %arg5[%mul3A_188] : memref<5000xi32, #tpu.memory_space<vmem>> -> memref<160xi32, #tpu.memory_space<vmem>>
        %dma_wait3A_190 = arith.constant 0 : i32
        %dma_wait3A_191 = arith.constant 0 : i32
        %dma_wait3A_192 = tpu.memref_slice %arg2[%scan3A_23, %dma_wait3A_190, %dma_wait3A_191] : memref<1x10000x256xf32, #tpu.memory_space<hbm>> -> memref<1x10000x256xf32, #tpu.memory_space<hbm>>
        %dma_wait3A_193 = tpu.memref_squeeze %dma_wait3A_192 : memref<1x10000x256xf32, #tpu.memory_space<hbm>> -> memref<10000x256xf32, #tpu.memory_space<hbm>>
        %dma_wait3A_194 = arith.constant 0 : i32
        %dma_wait3A_195 = arith.constant 0 : i32
        %dma_wait3A_196 = tpu.memref_slice %dma_wait3A_193[%dma_wait3A_194, %dma_wait3A_195] : memref<10000x256xf32, #tpu.memory_space<hbm>> -> memref<10000x256xf32, #tpu.memory_space<hbm>>
        tpu.wait_indirect_dma semaphore(%arg9 : memref<!tpu.dma_semaphore, #tpu.memory_space<semaphore_mem>>) src(%dma_wait3A_196 : memref<10000x256xf32, #tpu.memory_space<hbm>>) dst(%arg6 : memref<160x256xf32, #tpu.memory_space<vmem>>)
        %mul3A_197 = arith.constant 160 : i32
        %mul3A_198 = arith.muli %add3A_145, %mul3A_197 : i32
        %add3A_199 = arith.addi %mul3A_2, %mul3A_198 : i32
        %dma_start3A_200 = arith.constant 0 : i32
        %dma_start3A_201 = arith.constant 0 : i32
        %dma_start3A_202 = tpu.memref_slice %arg4[%scan3A_22, %dma_start3A_200, %dma_start3A_201] : memref<1x160000x256xf32, #tpu.memory_space<hbm>> -> memref<1x160000x256xf32, #tpu.memory_space<hbm>>
        %dma_start3A_203 = tpu.memref_squeeze %dma_start3A_202 : memref<1x160000x256xf32, #tpu.memory_space<hbm>> -> memref<160000x256xf32, #tpu.memory_space<hbm>>
        %dma_start3A_204 = arith.constant 0 : i32
        %dma_start3A_205 = tpu.memref_slice %dma_start3A_203[%add3A_199, %dma_start3A_204] : memref<160000x256xf32, #tpu.memory_space<hbm>> -> memref<160x256xf32, #tpu.memory_space<hbm>>
        %dma_start3A_206 = arith.constant 0 : i32
        %dma_start3A_207 = arith.constant 0 : i32
        %dma_start3A_208 = tpu.memref_slice %arg4[%scan3A_22, %dma_start3A_206, %dma_start3A_207] : memref<1x160000x256xf32, #tpu.memory_space<hbm>> -> memref<1x160000x256xf32, #tpu.memory_space<hbm>>
        %dma_start3A_209 = tpu.memref_squeeze %dma_start3A_208 : memref<1x160000x256xf32, #tpu.memory_space<hbm>> -> memref<160000x256xf32, #tpu.memory_space<hbm>>
        %dma_start3A_210 = arith.constant 0 : i32
        %dma_start3A_211 = tpu.memref_slice %dma_start3A_209[%add3A_199, %dma_start3A_210] : memref<160000x256xf32, #tpu.memory_space<hbm>> -> memref<160x256xf32, #tpu.memory_space<hbm>>
        tpu.enqueue_dma source(%arg6 : memref<160x256xf32, #tpu.memory_space<vmem>>) target(%dma_start3A_211 : memref<160x256xf32, #tpu.memory_space<hbm>>) target_semaphore(%arg12 : memref<!tpu.dma_semaphore, #tpu.memory_space<semaphore_mem>>)
      } else {
      }
      %mul3A_155 = arith.constant 3 : i32
      %mul3A_156 = arith.muli %mul3A_155, %scan3A_141 : i32
      %add3A_157 = arith.constant 1 : i32
      %add3A_158 = arith.addi %mul3A_156, %add3A_157 : i32
      %add3A_159 = arith.constant 2 : i32
      %add3A_160 = arith.addi %add3A_158, %add3A_159 : i32
      %lt3A_161 = arith.constant 31 : i32
      %lt3A_162 = arith.cmpi slt, %add3A_160, %lt3A_161 : i32
      %convert_element_type3A_163 = arith.extui %lt3A_162 : i1 to i32
      %cond3A_164 = arith.constant 0 : i32
      %cond3A_165 = arith.cmpi ne, %convert_element_type3A_163, %cond3A_164 : i32
      scf.if %cond3A_165 {
        %gt3A = arith.constant 0 : i32
        %gt3A_187 = arith.cmpi sgt, %add3A_158, %gt3A : i32
        %convert_element_type3A_188 = arith.extui %gt3A_187 : i1 to i32
        %cond3A_189 = arith.constant 0 : i32
        %cond3A_190 = arith.cmpi ne, %convert_element_type3A_188, %cond3A_189 : i32
        scf.if %cond3A_190 {
          %sub3A = arith.constant 1 : i32
          %sub3A_203 = arith.subi %add3A_158, %sub3A : i32
          %mul3A_204 = arith.constant 160 : i32
          %mul3A_205 = arith.muli %sub3A_203, %mul3A_204 : i32
          %add3A_206 = arith.addi %mul3A_2, %mul3A_205 : i32
          %dma_wait3A_207 = arith.constant 0 : i32
          %dma_wait3A_208 = arith.constant 0 : i32
          %dma_wait3A_209 = tpu.memref_slice %arg4[%scan3A_22, %dma_wait3A_207, %dma_wait3A_208] : memref<1x160000x256xf32, #tpu.memory_space<hbm>> -> memref<1x160000x256xf32, #tpu.memory_space<hbm>>
          %dma_wait3A_210 = tpu.memref_squeeze %dma_wait3A_209 : memref<1x160000x256xf32, #tpu.memory_space<hbm>> -> memref<160000x256xf32, #tpu.memory_space<hbm>>
          %dma_wait3A_211 = arith.constant 0 : i32
          %dma_wait3A_212 = tpu.memref_slice %dma_wait3A_210[%add3A_206, %dma_wait3A_211] : memref<160000x256xf32, #tpu.memory_space<hbm>> -> memref<160x256xf32, #tpu.memory_space<hbm>>
          %dma_wait3A_213 = arith.constant 0 : i32
          %dma_wait3A_214 = arith.constant 0 : i32
          %dma_wait3A_215 = tpu.memref_slice %arg4[%scan3A_22, %dma_wait3A_213, %dma_wait3A_214] : memref<1x160000x256xf32, #tpu.memory_space<hbm>> -> memref<1x160000x256xf32, #tpu.memory_space<hbm>>
          %dma_wait3A_216 = tpu.memref_squeeze %dma_wait3A_215 : memref<1x160000x256xf32, #tpu.memory_space<hbm>> -> memref<160000x256xf32, #tpu.memory_space<hbm>>
          %dma_wait3A_217 = arith.constant 0 : i32
          %dma_wait3A_218 = tpu.memref_slice %dma_wait3A_216[%add3A_206, %dma_wait3A_217] : memref<160000x256xf32, #tpu.memory_space<hbm>> -> memref<160x256xf32, #tpu.memory_space<hbm>>
          tpu.wait_dma2 semaphore(%arg12 : memref<!tpu.dma_semaphore, #tpu.memory_space<semaphore_mem>>) src(%arg6 : memref<160x256xf32, #tpu.memory_space<vmem>>) dst(%dma_wait3A_218 : memref<160x256xf32, #tpu.memory_space<hbm>>)
        } else {
        }
        %add3A_191 = arith.constant 2 : i32
        %add3A_192 = arith.addi %add3A_158, %add3A_191 : i32
        %mul3A_193 = arith.constant 160 : i32
        %mul3A_194 = arith.muli %add3A_192, %mul3A_193 : i32
        %dma_start3A_195 = tpu.memref_slice %arg5[%mul3A_194] : memref<5000xi32, #tpu.memory_space<vmem>> -> memref<160xi32, #tpu.memory_space<vmem>>
        %dma_start3A_196 = arith.constant 0 : i32
        %dma_start3A_197 = arith.constant 0 : i32
        %dma_start3A_198 = tpu.memref_slice %arg2[%scan3A_23, %dma_start3A_196, %dma_start3A_197] : memref<1x10000x256xf32, #tpu.memory_space<hbm>> -> memref<1x10000x256xf32, #tpu.memory_space<hbm>>
        %dma_start3A_199 = tpu.memref_squeeze %dma_start3A_198 : memref<1x10000x256xf32, #tpu.memory_space<hbm>> -> memref<10000x256xf32, #tpu.memory_space<hbm>>
        %dma_start3A_200 = arith.constant 0 : i32
        %dma_start3A_201 = arith.constant 0 : i32
        %dma_start3A_202 = tpu.memref_slice %dma_start3A_199[%dma_start3A_200, %dma_start3A_201] : memref<10000x256xf32, #tpu.memory_space<hbm>> -> memref<10000x256xf32, #tpu.memory_space<hbm>>
        tpu.enqueue_indirect_dma source(%dma_start3A_202 : memref<10000x256xf32, #tpu.memory_space<hbm>>) target(%arg6 : memref<160x256xf32, #tpu.memory_space<vmem>>) offsets(%dma_start3A_195 : memref<160xi32, #tpu.memory_space<vmem>>) semaphore(%arg9 : memref<!tpu.dma_semaphore, #tpu.memory_space<semaphore_mem>>)
      } else {
      }
      %lt3A_166 = arith.constant 31 : i32
      %lt3A_167 = arith.cmpi slt, %add3A_158, %lt3A_166 : i32
      %convert_element_type3A_168 = arith.extui %lt3A_167 : i1 to i32
      %cond3A_169 = arith.constant 0 : i32
      %cond3A_170 = arith.cmpi ne, %convert_element_type3A_168, %cond3A_169 : i32
      scf.if %cond3A_170 {
        %mul3A_187 = arith.constant 160 : i32
        %mul3A_188 = arith.muli %add3A_158, %mul3A_187 : i32
        %dma_wait3A_189 = tpu.memref_slice %arg5[%mul3A_188] : memref<5000xi32, #tpu.memory_space<vmem>> -> memref<160xi32, #tpu.memory_space<vmem>>
        %dma_wait3A_190 = arith.constant 0 : i32
        %dma_wait3A_191 = arith.constant 0 : i32
        %dma_wait3A_192 = tpu.memref_slice %arg2[%scan3A_23, %dma_wait3A_190, %dma_wait3A_191] : memref<1x10000x256xf32, #tpu.memory_space<hbm>> -> memref<1x10000x256xf32, #tpu.memory_space<hbm>>
        %dma_wait3A_193 = tpu.memref_squeeze %dma_wait3A_192 : memref<1x10000x256xf32, #tpu.memory_space<hbm>> -> memref<10000x256xf32, #tpu.memory_space<hbm>>
        %dma_wait3A_194 = arith.constant 0 : i32
        %dma_wait3A_195 = arith.constant 0 : i32
        %dma_wait3A_196 = tpu.memref_slice %dma_wait3A_193[%dma_wait3A_194, %dma_wait3A_195] : memref<10000x256xf32, #tpu.memory_space<hbm>> -> memref<10000x256xf32, #tpu.memory_space<hbm>>
        tpu.wait_indirect_dma semaphore(%arg10 : memref<!tpu.dma_semaphore, #tpu.memory_space<semaphore_mem>>) src(%dma_wait3A_196 : memref<10000x256xf32, #tpu.memory_space<hbm>>) dst(%arg7 : memref<160x256xf32, #tpu.memory_space<vmem>>)
        %mul3A_197 = arith.constant 160 : i32
        %mul3A_198 = arith.muli %add3A_158, %mul3A_197 : i32
        %add3A_199 = arith.addi %mul3A_2, %mul3A_198 : i32
        %dma_start3A_200 = arith.constant 0 : i32
        %dma_start3A_201 = arith.constant 0 : i32
        %dma_start3A_202 = tpu.memref_slice %arg4[%scan3A_22, %dma_start3A_200, %dma_start3A_201] : memref<1x160000x256xf32, #tpu.memory_space<hbm>> -> memref<1x160000x256xf32, #tpu.memory_space<hbm>>
        %dma_start3A_203 = tpu.memref_squeeze %dma_start3A_202 : memref<1x160000x256xf32, #tpu.memory_space<hbm>> -> memref<160000x256xf32, #tpu.memory_space<hbm>>
        %dma_start3A_204 = arith.constant 0 : i32
        %dma_start3A_205 = tpu.memref_slice %dma_start3A_203[%add3A_199, %dma_start3A_204] : memref<160000x256xf32, #tpu.memory_space<hbm>> -> memref<160x256xf32, #tpu.memory_space<hbm>>
        %dma_start3A_206 = arith.constant 0 : i32
        %dma_start3A_207 = arith.constant 0 : i32
        %dma_start3A_208 = tpu.memref_slice %arg4[%scan3A_22, %dma_start3A_206, %dma_start3A_207] : memref<1x160000x256xf32, #tpu.memory_space<hbm>> -> memref<1x160000x256xf32, #tpu.memory_space<hbm>>
        %dma_start3A_209 = tpu.memref_squeeze %dma_start3A_208 : memref<1x160000x256xf32, #tpu.memory_space<hbm>> -> memref<160000x256xf32, #tpu.memory_space<hbm>>
        %dma_start3A_210 = arith.constant 0 : i32
        %dma_start3A_211 = tpu.memref_slice %dma_start3A_209[%add3A_199, %dma_start3A_210] : memref<160000x256xf32, #tpu.memory_space<hbm>> -> memref<160x256xf32, #tpu.memory_space<hbm>>
        tpu.enqueue_dma source(%arg7 : memref<160x256xf32, #tpu.memory_space<vmem>>) target(%dma_start3A_211 : memref<160x256xf32, #tpu.memory_space<hbm>>) target_semaphore(%arg13 : memref<!tpu.dma_semaphore, #tpu.memory_space<semaphore_mem>>)
      } else {
      }
      %mul3A_171 = arith.constant 3 : i32
      %mul3A_172 = arith.muli %mul3A_171, %scan3A_141 : i32
      %add3A_173 = arith.constant 2 : i32
      %add3A_174 = arith.addi %mul3A_172, %add3A_173 : i32
      %add3A_175 = arith.constant 2 : i32
      %add3A_176 = arith.addi %add3A_174, %add3A_175 : i32
      %lt3A_177 = arith.constant 31 : i32
      %lt3A_178 = arith.cmpi slt, %add3A_176, %lt3A_177 : i32
      %convert_element_type3A_179 = arith.extui %lt3A_178 : i1 to i32
      %cond3A_180 = arith.constant 0 : i32
      %cond3A_181 = arith.cmpi ne, %convert_element_type3A_179, %cond3A_180 : i32
      scf.if %cond3A_181 {
        %gt3A = arith.constant 0 : i32
        %gt3A_187 = arith.cmpi sgt, %add3A_174, %gt3A : i32
        %convert_element_type3A_188 = arith.extui %gt3A_187 : i1 to i32
        %cond3A_189 = arith.constant 0 : i32
        %cond3A_190 = arith.cmpi ne, %convert_element_type3A_188, %cond3A_189 : i32
        scf.if %cond3A_190 {
          %sub3A = arith.constant 1 : i32
          %sub3A_203 = arith.subi %add3A_174, %sub3A : i32
          %mul3A_204 = arith.constant 160 : i32
          %mul3A_205 = arith.muli %sub3A_203, %mul3A_204 : i32
          %add3A_206 = arith.addi %mul3A_2, %mul3A_205 : i32
          %dma_wait3A_207 = arith.constant 0 : i32
          %dma_wait3A_208 = arith.constant 0 : i32
          %dma_wait3A_209 = tpu.memref_slice %arg4[%scan3A_22, %dma_wait3A_207, %dma_wait3A_208] : memref<1x160000x256xf32, #tpu.memory_space<hbm>> -> memref<1x160000x256xf32, #tpu.memory_space<hbm>>
          %dma_wait3A_210 = tpu.memref_squeeze %dma_wait3A_209 : memref<1x160000x256xf32, #tpu.memory_space<hbm>> -> memref<160000x256xf32, #tpu.memory_space<hbm>>
          %dma_wait3A_211 = arith.constant 0 : i32
          %dma_wait3A_212 = tpu.memref_slice %dma_wait3A_210[%add3A_206, %dma_wait3A_211] : memref<160000x256xf32, #tpu.memory_space<hbm>> -> memref<160x256xf32, #tpu.memory_space<hbm>>
          %dma_wait3A_213 = arith.constant 0 : i32
          %dma_wait3A_214 = arith.constant 0 : i32
          %dma_wait3A_215 = tpu.memref_slice %arg4[%scan3A_22, %dma_wait3A_213, %dma_wait3A_214] : memref<1x160000x256xf32, #tpu.memory_space<hbm>> -> memref<1x160000x256xf32, #tpu.memory_space<hbm>>
          %dma_wait3A_216 = tpu.memref_squeeze %dma_wait3A_215 : memref<1x160000x256xf32, #tpu.memory_space<hbm>> -> memref<160000x256xf32, #tpu.memory_space<hbm>>
          %dma_wait3A_217 = arith.constant 0 : i32
          %dma_wait3A_218 = tpu.memref_slice %dma_wait3A_216[%add3A_206, %dma_wait3A_217] : memref<160000x256xf32, #tpu.memory_space<hbm>> -> memref<160x256xf32, #tpu.memory_space<hbm>>
          tpu.wait_dma2 semaphore(%arg13 : memref<!tpu.dma_semaphore, #tpu.memory_space<semaphore_mem>>) src(%arg7 : memref<160x256xf32, #tpu.memory_space<vmem>>) dst(%dma_wait3A_218 : memref<160x256xf32, #tpu.memory_space<hbm>>)
        } else {
        }
        %add3A_191 = arith.constant 2 : i32
        %add3A_192 = arith.addi %add3A_174, %add3A_191 : i32
        %mul3A_193 = arith.constant 160 : i32
        %mul3A_194 = arith.muli %add3A_192, %mul3A_193 : i32
        %dma_start3A_195 = tpu.memref_slice %arg5[%mul3A_194] : memref<5000xi32, #tpu.memory_space<vmem>> -> memref<160xi32, #tpu.memory_space<vmem>>
        %dma_start3A_196 = arith.constant 0 : i32
        %dma_start3A_197 = arith.constant 0 : i32
        %dma_start3A_198 = tpu.memref_slice %arg2[%scan3A_23, %dma_start3A_196, %dma_start3A_197] : memref<1x10000x256xf32, #tpu.memory_space<hbm>> -> memref<1x10000x256xf32, #tpu.memory_space<hbm>>
        %dma_start3A_199 = tpu.memref_squeeze %dma_start3A_198 : memref<1x10000x256xf32, #tpu.memory_space<hbm>> -> memref<10000x256xf32, #tpu.memory_space<hbm>>
        %dma_start3A_200 = arith.constant 0 : i32
        %dma_start3A_201 = arith.constant 0 : i32
        %dma_start3A_202 = tpu.memref_slice %dma_start3A_199[%dma_start3A_200, %dma_start3A_201] : memref<10000x256xf32, #tpu.memory_space<hbm>> -> memref<10000x256xf32, #tpu.memory_space<hbm>>
        tpu.enqueue_indirect_dma source(%dma_start3A_202 : memref<10000x256xf32, #tpu.memory_space<hbm>>) target(%arg7 : memref<160x256xf32, #tpu.memory_space<vmem>>) offsets(%dma_start3A_195 : memref<160xi32, #tpu.memory_space<vmem>>) semaphore(%arg10 : memref<!tpu.dma_semaphore, #tpu.memory_space<semaphore_mem>>)
      } else {
      }
      %lt3A_182 = arith.constant 31 : i32
      %lt3A_183 = arith.cmpi slt, %add3A_174, %lt3A_182 : i32
      %convert_element_type3A_184 = arith.extui %lt3A_183 : i1 to i32
      %cond3A_185 = arith.constant 0 : i32
      %cond3A_186 = arith.cmpi ne, %convert_element_type3A_184, %cond3A_185 : i32
      scf.if %cond3A_186 {
        %mul3A_187 = arith.constant 160 : i32
        %mul3A_188 = arith.muli %add3A_174, %mul3A_187 : i32
        %dma_wait3A_189 = tpu.memref_slice %arg5[%mul3A_188] : memref<5000xi32, #tpu.memory_space<vmem>> -> memref<160xi32, #tpu.memory_space<vmem>>
        %dma_wait3A_190 = arith.constant 0 : i32
        %dma_wait3A_191 = arith.constant 0 : i32
        %dma_wait3A_192 = tpu.memref_slice %arg2[%scan3A_23, %dma_wait3A_190, %dma_wait3A_191] : memref<1x10000x256xf32, #tpu.memory_space<hbm>> -> memref<1x10000x256xf32, #tpu.memory_space<hbm>>
        %dma_wait3A_193 = tpu.memref_squeeze %dma_wait3A_192 : memref<1x10000x256xf32, #tpu.memory_space<hbm>> -> memref<10000x256xf32, #tpu.memory_space<hbm>>
        %dma_wait3A_194 = arith.constant 0 : i32
        %dma_wait3A_195 = arith.constant 0 : i32
        %dma_wait3A_196 = tpu.memref_slice %dma_wait3A_193[%dma_wait3A_194, %dma_wait3A_195] : memref<10000x256xf32, #tpu.memory_space<hbm>> -> memref<10000x256xf32, #tpu.memory_space<hbm>>
        tpu.wait_indirect_dma semaphore(%arg11 : memref<!tpu.dma_semaphore, #tpu.memory_space<semaphore_mem>>) src(%dma_wait3A_196 : memref<10000x256xf32, #tpu.memory_space<hbm>>) dst(%arg8 : memref<160x256xf32, #tpu.memory_space<vmem>>)
        %mul3A_197 = arith.constant 160 : i32
        %mul3A_198 = arith.muli %add3A_174, %mul3A_197 : i32
        %add3A_199 = arith.addi %mul3A_2, %mul3A_198 : i32
        %dma_start3A_200 = arith.constant 0 : i32
        %dma_start3A_201 = arith.constant 0 : i32
        %dma_start3A_202 = tpu.memref_slice %arg4[%scan3A_22, %dma_start3A_200, %dma_start3A_201] : memref<1x160000x256xf32, #tpu.memory_space<hbm>> -> memref<1x160000x256xf32, #tpu.memory_space<hbm>>
        %dma_start3A_203 = tpu.memref_squeeze %dma_start3A_202 : memref<1x160000x256xf32, #tpu.memory_space<hbm>> -> memref<160000x256xf32, #tpu.memory_space<hbm>>
        %dma_start3A_204 = arith.constant 0 : i32
        %dma_start3A_205 = tpu.memref_slice %dma_start3A_203[%add3A_199, %dma_start3A_204] : memref<160000x256xf32, #tpu.memory_space<hbm>> -> memref<160x256xf32, #tpu.memory_space<hbm>>
        %dma_start3A_206 = arith.constant 0 : i32
        %dma_start3A_207 = arith.constant 0 : i32
        %dma_start3A_208 = tpu.memref_slice %arg4[%scan3A_22, %dma_start3A_206, %dma_start3A_207] : memref<1x160000x256xf32, #tpu.memory_space<hbm>> -> memref<1x160000x256xf32, #tpu.memory_space<hbm>>
        %dma_start3A_209 = tpu.memref_squeeze %dma_start3A_208 : memref<1x160000x256xf32, #tpu.memory_space<hbm>> -> memref<160000x256xf32, #tpu.memory_space<hbm>>
        %dma_start3A_210 = arith.constant 0 : i32
        %dma_start3A_211 = tpu.memref_slice %dma_start3A_209[%add3A_199, %dma_start3A_210] : memref<160000x256xf32, #tpu.memory_space<hbm>> -> memref<160x256xf32, #tpu.memory_space<hbm>>
        tpu.enqueue_dma source(%arg8 : memref<160x256xf32, #tpu.memory_space<vmem>>) target(%dma_start3A_211 : memref<160x256xf32, #tpu.memory_space<hbm>>) target_semaphore(%arg14 : memref<!tpu.dma_semaphore, #tpu.memory_space<semaphore_mem>>)
      } else {
      }
    }
    %scan3A_28 = arith.constant 11 : i32
    %add3A_29 = arith.constant 4480 : i32
    %add3A_30 = arith.addi %mul3A_2, %add3A_29 : i32
    %dma_wait3A = arith.constant 0 : i32
    %dma_wait3A_31 = arith.constant 0 : i32
    %dma_wait3A_32 = arith.constant 0 : i32
    %dma_wait3A_33 = tpu.memref_slice %arg4[%dma_wait3A, %dma_wait3A_31, %dma_wait3A_32] : memref<1x160000x256xf32, #tpu.memory_space<hbm>> -> memref<1x160000x256xf32, #tpu.memory_space<hbm>>
    %dma_wait3A_34 = tpu.memref_squeeze %dma_wait3A_33 : memref<1x160000x256xf32, #tpu.memory_space<hbm>> -> memref<160000x256xf32, #tpu.memory_space<hbm>>
    %dma_wait3A_35 = arith.constant 0 : i32
    %dma_wait3A_36 = tpu.memref_slice %dma_wait3A_34[%add3A_30, %dma_wait3A_35] : memref<160000x256xf32, #tpu.memory_space<hbm>> -> memref<160x256xf32, #tpu.memory_space<hbm>>
    %dma_wait3A_37 = arith.constant 0 : i32
    %dma_wait3A_38 = arith.constant 0 : i32
    %dma_wait3A_39 = tpu.memref_slice %arg4[%dma_wait3A, %dma_wait3A_37, %dma_wait3A_38] : memref<1x160000x256xf32, #tpu.memory_space<hbm>> -> memref<1x160000x256xf32, #tpu.memory_space<hbm>>
    %dma_wait3A_40 = tpu.memref_squeeze %dma_wait3A_39 : memref<1x160000x256xf32, #tpu.memory_space<hbm>> -> memref<160000x256xf32, #tpu.memory_space<hbm>>
    %dma_wait3A_41 = arith.constant 0 : i32
    %dma_wait3A_42 = tpu.memref_slice %dma_wait3A_40[%add3A_30, %dma_wait3A_41] : memref<160000x256xf32, #tpu.memory_space<hbm>> -> memref<160x256xf32, #tpu.memory_space<hbm>>
    tpu.wait_dma2 semaphore(%arg13 : memref<!tpu.dma_semaphore, #tpu.memory_space<semaphore_mem>>) src(%arg7 : memref<160x256xf32, #tpu.memory_space<vmem>>) dst(%dma_wait3A_42 : memref<160x256xf32, #tpu.memory_space<hbm>>)
    %dma_start3A_43 = arith.constant 0 : i32
    %dma_start3A_44 = arith.constant 0 : i32
    %dma_start3A_45 = arith.constant 0 : i32
    %dma_start3A_46 = tpu.memref_slice %arg7[%dma_start3A_44, %dma_start3A_45] : memref<160x256xf32, #tpu.memory_space<vmem>> -> memref<40x256xf32, #tpu.memory_space<vmem>>
    %dma_start3A_47 = arith.constant 4960 : i32
    %dma_start3A_48 = tpu.memref_slice %arg5[%dma_start3A_47] : memref<5000xi32, #tpu.memory_space<vmem>> -> memref<40xi32, #tpu.memory_space<vmem>>
    %dma_start3A_49 = arith.constant 0 : i32
    %dma_start3A_50 = arith.constant 0 : i32
    %dma_start3A_51 = tpu.memref_slice %arg2[%dma_start3A_43, %dma_start3A_49, %dma_start3A_50] : memref<1x10000x256xf32, #tpu.memory_space<hbm>> -> memref<1x10000x256xf32, #tpu.memory_space<hbm>>
    %dma_start3A_52 = tpu.memref_squeeze %dma_start3A_51 : memref<1x10000x256xf32, #tpu.memory_space<hbm>> -> memref<10000x256xf32, #tpu.memory_space<hbm>>
    %dma_start3A_53 = arith.constant 0 : i32
    %dma_start3A_54 = arith.constant 0 : i32
    %dma_start3A_55 = tpu.memref_slice %dma_start3A_52[%dma_start3A_53, %dma_start3A_54] : memref<10000x256xf32, #tpu.memory_space<hbm>> -> memref<10000x256xf32, #tpu.memory_space<hbm>>
    tpu.enqueue_indirect_dma source(%dma_start3A_55 : memref<10000x256xf32, #tpu.memory_space<hbm>>) target(%dma_start3A_46 : memref<40x256xf32, #tpu.memory_space<vmem>>) offsets(%dma_start3A_48 : memref<40xi32, #tpu.memory_space<vmem>>) semaphore(%arg10 : memref<!tpu.dma_semaphore, #tpu.memory_space<semaphore_mem>>)
    %dma_wait3A_56 = arith.constant 0 : i32
    %dma_wait3A_57 = arith.constant 0 : i32
    %dma_wait3A_58 = arith.constant 0 : i32
    %dma_wait3A_59 = tpu.memref_slice %arg7[%dma_wait3A_57, %dma_wait3A_58] : memref<160x256xf32, #tpu.memory_space<vmem>> -> memref<40x256xf32, #tpu.memory_space<vmem>>
    %dma_wait3A_60 = arith.constant 4960 : i32
    %dma_wait3A_61 = tpu.memref_slice %arg5[%dma_wait3A_60] : memref<5000xi32, #tpu.memory_space<vmem>> -> memref<40xi32, #tpu.memory_space<vmem>>
    %dma_wait3A_62 = arith.constant 0 : i32
    %dma_wait3A_63 = arith.constant 0 : i32
    %dma_wait3A_64 = tpu.memref_slice %arg2[%dma_wait3A_56, %dma_wait3A_62, %dma_wait3A_63] : memref<1x10000x256xf32, #tpu.memory_space<hbm>> -> memref<1x10000x256xf32, #tpu.memory_space<hbm>>
    %dma_wait3A_65 = tpu.memref_squeeze %dma_wait3A_64 : memref<1x10000x256xf32, #tpu.memory_space<hbm>> -> memref<10000x256xf32, #tpu.memory_space<hbm>>
    %dma_wait3A_66 = arith.constant 0 : i32
    %dma_wait3A_67 = arith.constant 0 : i32
    %dma_wait3A_68 = tpu.memref_slice %dma_wait3A_65[%dma_wait3A_66, %dma_wait3A_67] : memref<10000x256xf32, #tpu.memory_space<hbm>> -> memref<10000x256xf32, #tpu.memory_space<hbm>>
    tpu.wait_indirect_dma semaphore(%arg10 : memref<!tpu.dma_semaphore, #tpu.memory_space<semaphore_mem>>) src(%dma_wait3A_68 : memref<10000x256xf32, #tpu.memory_space<hbm>>) dst(%dma_wait3A_59 : memref<40x256xf32, #tpu.memory_space<vmem>>)
    %add3A_69 = arith.constant 4960 : i32
    %add3A_70 = arith.addi %mul3A_2, %add3A_69 : i32
    %dma_start3A_71 = arith.constant 0 : i32
    %dma_start3A_72 = arith.constant 0 : i32
    %dma_start3A_73 = arith.constant 0 : i32
    %dma_start3A_74 = tpu.memref_slice %arg7[%dma_start3A_72, %dma_start3A_73] : memref<160x256xf32, #tpu.memory_space<vmem>> -> memref<40x256xf32, #tpu.memory_space<vmem>>
    %dma_start3A_75 = arith.constant 0 : i32
    %dma_start3A_76 = arith.constant 0 : i32
    %dma_start3A_77 = tpu.memref_slice %arg4[%dma_start3A_71, %dma_start3A_75, %dma_start3A_76] : memref<1x160000x256xf32, #tpu.memory_space<hbm>> -> memref<1x160000x256xf32, #tpu.memory_space<hbm>>
    %dma_start3A_78 = tpu.memref_squeeze %dma_start3A_77 : memref<1x160000x256xf32, #tpu.memory_space<hbm>> -> memref<160000x256xf32, #tpu.memory_space<hbm>>
    %dma_start3A_79 = arith.constant 0 : i32
    %dma_start3A_80 = tpu.memref_slice %dma_start3A_78[%add3A_70, %dma_start3A_79] : memref<160000x256xf32, #tpu.memory_space<hbm>> -> memref<40x256xf32, #tpu.memory_space<hbm>>
    %dma_start3A_81 = arith.constant 0 : i32
    %dma_start3A_82 = arith.constant 0 : i32
    %dma_start3A_83 = tpu.memref_slice %arg4[%dma_start3A_71, %dma_start3A_81, %dma_start3A_82] : memref<1x160000x256xf32, #tpu.memory_space<hbm>> -> memref<1x160000x256xf32, #tpu.memory_space<hbm>>
    %dma_start3A_84 = tpu.memref_squeeze %dma_start3A_83 : memref<1x160000x256xf32, #tpu.memory_space<hbm>> -> memref<160000x256xf32, #tpu.memory_space<hbm>>
    %dma_start3A_85 = arith.constant 0 : i32
    %dma_start3A_86 = tpu.memref_slice %dma_start3A_84[%add3A_70, %dma_start3A_85] : memref<160000x256xf32, #tpu.memory_space<hbm>> -> memref<40x256xf32, #tpu.memory_space<hbm>>
    %dma_start3A_87 = arith.constant 0 : i32
    %dma_start3A_88 = arith.constant 0 : i32
    %dma_start3A_89 = tpu.memref_slice %arg7[%dma_start3A_87, %dma_start3A_88] : memref<160x256xf32, #tpu.memory_space<vmem>> -> memref<40x256xf32, #tpu.memory_space<vmem>>
    tpu.enqueue_dma source(%dma_start3A_89 : memref<40x256xf32, #tpu.memory_space<vmem>>) target(%dma_start3A_86 : memref<40x256xf32, #tpu.memory_space<hbm>>) target_semaphore(%arg13 : memref<!tpu.dma_semaphore, #tpu.memory_space<semaphore_mem>>)
    %add3A_90 = arith.constant 4640 : i32
    %add3A_91 = arith.addi %mul3A_2, %add3A_90 : i32
    %dma_wait3A_92 = arith.constant 0 : i32
    %dma_wait3A_93 = arith.constant 0 : i32
    %dma_wait3A_94 = arith.constant 0 : i32
    %dma_wait3A_95 = tpu.memref_slice %arg4[%dma_wait3A_92, %dma_wait3A_93, %dma_wait3A_94] : memref<1x160000x256xf32, #tpu.memory_space<hbm>> -> memref<1x160000x256xf32, #tpu.memory_space<hbm>>
    %dma_wait3A_96 = tpu.memref_squeeze %dma_wait3A_95 : memref<1x160000x256xf32, #tpu.memory_space<hbm>> -> memref<160000x256xf32, #tpu.memory_space<hbm>>
    %dma_wait3A_97 = arith.constant 0 : i32
    %dma_wait3A_98 = tpu.memref_slice %dma_wait3A_96[%add3A_91, %dma_wait3A_97] : memref<160000x256xf32, #tpu.memory_space<hbm>> -> memref<160x256xf32, #tpu.memory_space<hbm>>
    %dma_wait3A_99 = arith.constant 0 : i32
    %dma_wait3A_100 = arith.constant 0 : i32
    %dma_wait3A_101 = tpu.memref_slice %arg4[%dma_wait3A_92, %dma_wait3A_99, %dma_wait3A_100] : memref<1x160000x256xf32, #tpu.memory_space<hbm>> -> memref<1x160000x256xf32, #tpu.memory_space<hbm>>
    %dma_wait3A_102 = tpu.memref_squeeze %dma_wait3A_101 : memref<1x160000x256xf32, #tpu.memory_space<hbm>> -> memref<160000x256xf32, #tpu.memory_space<hbm>>
    %dma_wait3A_103 = arith.constant 0 : i32
    %dma_wait3A_104 = tpu.memref_slice %dma_wait3A_102[%add3A_91, %dma_wait3A_103] : memref<160000x256xf32, #tpu.memory_space<hbm>> -> memref<160x256xf32, #tpu.memory_space<hbm>>
    tpu.wait_dma2 semaphore(%arg14 : memref<!tpu.dma_semaphore, #tpu.memory_space<semaphore_mem>>) src(%arg8 : memref<160x256xf32, #tpu.memory_space<vmem>>) dst(%dma_wait3A_104 : memref<160x256xf32, #tpu.memory_space<hbm>>)
    %add3A_105 = arith.constant 4800 : i32
    %add3A_106 = arith.addi %mul3A_2, %add3A_105 : i32
    %dma_wait3A_107 = arith.constant 0 : i32
    %dma_wait3A_108 = arith.constant 0 : i32
    %dma_wait3A_109 = arith.constant 0 : i32
    %dma_wait3A_110 = tpu.memref_slice %arg4[%dma_wait3A_107, %dma_wait3A_108, %dma_wait3A_109] : memref<1x160000x256xf32, #tpu.memory_space<hbm>> -> memref<1x160000x256xf32, #tpu.memory_space<hbm>>
    %dma_wait3A_111 = tpu.memref_squeeze %dma_wait3A_110 : memref<1x160000x256xf32, #tpu.memory_space<hbm>> -> memref<160000x256xf32, #tpu.memory_space<hbm>>
    %dma_wait3A_112 = arith.constant 0 : i32
    %dma_wait3A_113 = tpu.memref_slice %dma_wait3A_111[%add3A_106, %dma_wait3A_112] : memref<160000x256xf32, #tpu.memory_space<hbm>> -> memref<160x256xf32, #tpu.memory_space<hbm>>
    %dma_wait3A_114 = arith.constant 0 : i32
    %dma_wait3A_115 = arith.constant 0 : i32
    %dma_wait3A_116 = tpu.memref_slice %arg4[%dma_wait3A_107, %dma_wait3A_114, %dma_wait3A_115] : memref<1x160000x256xf32, #tpu.memory_space<hbm>> -> memref<1x160000x256xf32, #tpu.memory_space<hbm>>
    %dma_wait3A_117 = tpu.memref_squeeze %dma_wait3A_116 : memref<1x160000x256xf32, #tpu.memory_space<hbm>> -> memref<160000x256xf32, #tpu.memory_space<hbm>>
    %dma_wait3A_118 = arith.constant 0 : i32
    %dma_wait3A_119 = tpu.memref_slice %dma_wait3A_117[%add3A_106, %dma_wait3A_118] : memref<160000x256xf32, #tpu.memory_space<hbm>> -> memref<160x256xf32, #tpu.memory_space<hbm>>
    tpu.wait_dma2 semaphore(%arg12 : memref<!tpu.dma_semaphore, #tpu.memory_space<semaphore_mem>>) src(%arg6 : memref<160x256xf32, #tpu.memory_space<vmem>>) dst(%dma_wait3A_119 : memref<160x256xf32, #tpu.memory_space<hbm>>)
    %add3A_120 = arith.constant 4960 : i32
    %add3A_121 = arith.addi %mul3A_2, %add3A_120 : i32
    %dma_wait3A_122 = arith.constant 0 : i32
    %dma_wait3A_123 = arith.constant 0 : i32
    %dma_wait3A_124 = arith.constant 0 : i32
    %dma_wait3A_125 = tpu.memref_slice %arg7[%dma_wait3A_123, %dma_wait3A_124] : memref<160x256xf32, #tpu.memory_space<vmem>> -> memref<40x256xf32, #tpu.memory_space<vmem>>
    %dma_wait3A_126 = arith.constant 0 : i32
    %dma_wait3A_127 = arith.constant 0 : i32
    %dma_wait3A_128 = tpu.memref_slice %arg4[%dma_wait3A_122, %dma_wait3A_126, %dma_wait3A_127] : memref<1x160000x256xf32, #tpu.memory_space<hbm>> -> memref<1x160000x256xf32, #tpu.memory_space<hbm>>
    %dma_wait3A_129 = tpu.memref_squeeze %dma_wait3A_128 : memref<1x160000x256xf32, #tpu.memory_space<hbm>> -> memref<160000x256xf32, #tpu.memory_space<hbm>>
    %dma_wait3A_130 = arith.constant 0 : i32
    %dma_wait3A_131 = tpu.memref_slice %dma_wait3A_129[%add3A_121, %dma_wait3A_130] : memref<160000x256xf32, #tpu.memory_space<hbm>> -> memref<40x256xf32, #tpu.memory_space<hbm>>
    %dma_wait3A_132 = arith.constant 0 : i32
    %dma_wait3A_133 = arith.constant 0 : i32
    %dma_wait3A_134 = tpu.memref_slice %arg4[%dma_wait3A_122, %dma_wait3A_132, %dma_wait3A_133] : memref<1x160000x256xf32, #tpu.memory_space<hbm>> -> memref<1x160000x256xf32, #tpu.memory_space<hbm>>
    %dma_wait3A_135 = tpu.memref_squeeze %dma_wait3A_134 : memref<1x160000x256xf32, #tpu.memory_space<hbm>> -> memref<160000x256xf32, #tpu.memory_space<hbm>>
    %dma_wait3A_136 = arith.constant 0 : i32
    %dma_wait3A_137 = tpu.memref_slice %dma_wait3A_135[%add3A_121, %dma_wait3A_136] : memref<160000x256xf32, #tpu.memory_space<hbm>> -> memref<40x256xf32, #tpu.memory_space<hbm>>
    %dma_wait3A_138 = arith.constant 0 : i32
    %dma_wait3A_139 = arith.constant 0 : i32
    %dma_wait3A_140 = tpu.memref_slice %arg7[%dma_wait3A_138, %dma_wait3A_139] : memref<160x256xf32, #tpu.memory_space<vmem>> -> memref<40x256xf32, #tpu.memory_space<vmem>>
    tpu.wait_dma2 semaphore(%arg13 : memref<!tpu.dma_semaphore, #tpu.memory_space<semaphore_mem>>) src(%dma_wait3A_140 : memref<40x256xf32, #tpu.memory_space<vmem>>) dst(%dma_wait3A_137 : memref<40x256xf32, #tpu.memory_space<hbm>>)
    return
  }
}

</mosaic_0001>

<sc_bundles>
// kernel: kernel.3.cloned.1.call-start
scs
__scs_entry_jumppad:
0x0: {  	(pc) =	sbr.rel $0x88, $3  }
0x1: {  	(tag) =	ssettag $0x0;
	lr =	simm.s32 $0x1  }
0x2: {  	[smem:$0x3F9F] =	sst lr;
	_ =	strace $0xD0000000  }
0x3: {  	_ = 	snop  }
0x4: {  	_ = 	snop  }
0x5: {  	_ = 	snop  }
0x6: {  	_ = 	snop  }
0x7: {  	_ = 	snop  }
__scs_overlays_trampoline_lowered:
0x8: {  	[smem:$0x3FAE] =	sst s0  }
0x9: {  	[smem:$0x3FAF] =	sst s1  }
0xa: {  	[smem:$0x3FB0] =	sst s2  }
0xb: {  	[smem:$0x3FB1] =	sst s3  }
0xc: {  	[smem:$0x3FB2] =	sst s4  }
0xd: {  	[smem:$0x3FB3] =	sst s5  }
0xe: {  	[smem:$0x3FB4] =	sst s6  }
0xf: {  	[smem:$0x3FB5] =	sst s7  }
0x10: {  	[smem:$0x3FB6] =	sst s8  }
0x11: {  	[smem:$0x3FB7] =	sst s9;
	s0 =	simm.s32 @!p0 $0x0  }
0x12: {  	s1 =	sld [smem:$0x3F9D];
	s0 =	simm.s32 @p0 $0x1  }
0x13: {  	[smem:$0x3FB8] =	sst s0;
	s0 =	simm.s32 @!p1 $0x0  }
0x14: {  	s2 =	sld [smem:$0x3F9C];
	s0 =	simm.s32 @p1 $0x1  }
0x15: {  	[smem:$0x3FB9] =	sst s0;
	s0 =	simm.s32 @!p2 $0x0  }
0x16: {  	s3 =	sld [smem:$0x3FDB];
	s0 =	simm.s32 @p2 $0x1  }
0x17: {  	s4 =	simm.s32 $0x1BF5;
	[smem:$0x3FBB] =	sst s0  }
0x18: {  	s0 =	sld [smem:$0x3F9E];
	_ =	swait.ge [sflag:s4], $0x0  }
0x19: {  	s7 =	sld [smem:$0x3F9F]  }
0x1a: {  	s8 =	sadd.s32 $0xFFFFE003, lr  }
0x1b: {  	s9 =	sadd.s32 $0xFFFFFEF7, lr;
	s5 =	simm.s32 $0xFFFFFFFF;
	p2 =	slt.u32 s8, $0xFFFFF086  }
0x1c: {  	p1 =	slt.u32 s9, $0xF7A;
	s5 =	simm.s32 @!p2 $0x0  }
0x1d: {  	s5 =	simm.s32 @p1 $0x1;
	p0 =	seq.s32 s7, s2  }
0x1e: {  	s7 =	smul.u32 @!p0 $0xF7A, s2;
	p2 =	seq.s32 @!p0 s5, $0x0  }
0x1f: {  	s9 =	smul.u32 $0xF7A, s1;
	s8 =	simm.s32 @!p0 $0x1BF5;
	p2 =	por !p2, p0  }
0x20: {  	[sflag:s8] =	ssyncset.s32 @!p0 $0xFFFFF086;
	s6 =	sadd.s32 @!p0 s3, s7;
	s7 =	simm.s32 @!p0 $0x108  }
0x21: {  	s3 =	sadd.s32 s3, s9;
	s6 =	sadd.s32 @!p0 $0x88, s6;
	s7 =	simm.s32 @p2 $0x1082  }
0x22: {  	[simem:s7], [sflag:s8] =	dma.local @!p0 [hbm:s6], $0xF7A  }
0x23: {  	s9 =	sor.u32 $0xD0000000, s2;
	s6 =	simm.s32 $0x108;
	_ =	swait.ge @!p0 [sflag:s8], $0x0  }
0x24: {  	s3 =	sadd.s32 $0x88, s3;
	s6 =	simm.s32 @!p1 $0x1082;
	[sflag:s4] =	ssyncset.s32 $0xFFFFF086  }
0x25: {  	[simem:s6], [sflag:s4] =	dma.local [hbm:s3], $0xF7A  }
0x26: {  	[smem:$0x3F9F] =	sst s1;
	(tag) =	ssettag s2;
	_ =	strace s9  }
0x27: {  	s1 =	sld [smem:$0x3FAF]  }
0x28: {  	s2 =	sld [smem:$0x3FB0]  }
0x29: {  	s4 =	sld [smem:$0x3FB2]  }
0x2a: {  	p0 =	seq.s32 s5, $0x0;
	s5 =	sld [smem:$0x3FB3]  }
0x2b: {  	s6 =	sld [smem:$0x3FB4]  }
0x2c: {  	s7 =	sld [smem:$0x3FB5]  }
0x2d: {  	s3 =	simm.s32 $0x108;
	s8 =	sld [smem:$0x3FB6]  }
0x2e: {  	s3 =	simm.s32 @!p0 $0x1082;
	s9 =	sld [smem:$0x3FB7]  }
0x2f: {  	lr =	sadd.s32 s0, s3;
	s0 =	sld [smem:$0x3FAE]  }
0x30: {  	s3 =	sld [smem:$0x3FB1]  }
0x31: {  	[smem:$0x3FBA] =	sst s10  }
0x32: {  	s10 =	sld [smem:$0x3FB8];
	_ =	sdelay $0x3  }
0x33: {  	p0 =	seq.s32 s10, $0x1;
	s10 =	sld [smem:$0x3FBA];
	_ =	sdelay $0x3  }
0x34: {  	[smem:$0x3FBA] =	sst s10  }
0x35: {  	s10 =	sld [smem:$0x3FB9];
	_ =	sdelay $0x3  }
0x36: {  	p1 =	seq.s32 s10, $0x1;
	s10 =	sld [smem:$0x3FBA];
	_ =	sdelay $0x3  }
0x37: {  	[smem:$0x3FBA] =	sst s10  }
0x38: {  	s10 =	sld [smem:$0x3FBB]  }
0x39: {  	_ = 	snop;
	(pc) =	sbr.ind lr, $3  }
0x3a: {  	_ = 	snop  }
0x3b: {  	_ = 	snop  }
0x3c: {  	p2 =	seq.s32 s10, $0x1;
	s10 =	sld [smem:$0x3FBA]  }
0x3d: {  	_ =	shalt  }
0x3e: {  	_ =	shalt  }
0x3f: {  	_ =	shalt  }
0x40: {  	_ =	shalt  }
0x41: {  	_ =	shalt  }
0x42: {  	_ =	shalt  }
0x43: {  	_ =	shalt  }
0x44: {  	_ =	shalt  }
0x45: {  	_ =	shalt  }
0x46: {  	_ =	shalt  }
0x47: {  	_ =	shalt  }
0x48: {  	_ =	shalt  }
0x49: {  	_ =	shalt  }
0x4a: {  	_ =	shalt  }
0x4b: {  	_ =	shalt  }
0x4c: {  	_ =	shalt  }
0x4d: {  	_ =	shalt  }
0x4e: {  	_ =	shalt  }
0x4f: {  	_ =	shalt  }
0x50: {  	_ =	shalt  }
0x51: {  	_ =	shalt  }
0x52: {  	_ =	shalt  }
0x53: {  	_ =	shalt  }
0x54: {  	_ =	shalt  }
0x55: {  	_ =	shalt  }
0x56: {  	_ =	shalt  }
0x57: {  	_ =	shalt  }
0x58: {  	_ =	shalt  }
0x59: {  	_ =	shalt  }
0x5a: {  	_ =	shalt  }
0x5b: {  	_ =	shalt  }
0x5c: {  	_ =	shalt  }
0x5d: {  	_ =	shalt  }
0x5e: {  	_ =	shalt  }
0x5f: {  	_ =	shalt  }
0x60: {  	_ =	shalt  }
0x61: {  	_ =	shalt  }
0x62: {  	_ =	shalt  }
0x63: {  	_ =	shalt  }
0x64: {  	_ =	shalt  }
0x65: {  	_ =	shalt  }
0x66: {  	_ =	shalt  }
0x67: {  	_ =	shalt  }
0x68: {  	_ =	shalt  }
0x69: {  	_ =	shalt  }
0x6a: {  	_ =	shalt  }
0x6b: {  	_ =	shalt  }
0x6c: {  	_ =	shalt  }
0x6d: {  	_ =	shalt  }
0x6e: {  	_ =	shalt  }
0x6f: {  	_ =	shalt  }
0x70: {  	_ =	shalt  }
0x71: {  	_ =	shalt  }
0x72: {  	_ =	shalt  }
0x73: {  	_ =	shalt  }
0x74: {  	_ =	shalt  }
0x75: {  	_ =	shalt  }
0x76: {  	_ =	shalt  }
0x77: {  	_ =	shalt  }
0x78: {  	_ =	shalt  }
0x79: {  	_ =	shalt  }
0x7a: {  	_ =	shalt  }
0x7b: {  	_ =	shalt  }
0x7c: {  	_ =	shalt  }
0x7d: {  	_ =	shalt  }
0x7e: {  	_ =	shalt  }
0x7f: {  	_ =	shalt  }
0x80: {  	_ =	shalt  }
0x81: {  	_ =	shalt  }
0x82: {  	_ =	shalt  }
0x83: {  	_ =	shalt  }
0x84: {  	_ =	shalt  }
0x85: {  	_ =	shalt  }
0x86: {  	_ =	shalt  }
0x87: {  	_ =	shalt  }
.Lfunc_end0:
.L_simem_size_0:
called_computation_lowered:
.L_overlay_start_0:
0x88: {  	s2 =	sld [smem:$0x3FD9]  }
0x89: {  	s3 =	sld [smem:$0x3FFE];
	_ =	sdelay $0x1  }
0x8a: {  	s1 =	srdreg.scid  }
0x8b: {  	s0 =	sand.u32 $0x1, s1  }
0x8c: {  	s17 =	sshll.u32 s0, $0xA;
	s2 =	sadd.s32 s3, s2  }
0x8d: {  	s2 =	sadd.s32 s2, s17  }
0x8e: {  	[smem:$0x3FC6] =	sst s2  }
0x8f: {  	_ = 	snop  }
0x90: {  	s2 =	sld [smem:$0x3FC9]  }
0x91: {  	s18 =	sld [smem:$0x3FD0];
	(tm) =	ssettm $0x1  }
0x92: {  	s4 =	sld [smem:$0x3FFB];
	_ =	sdelay $0x3  }
0x93: {  	_ =	strace s4  }
0x94: {  	s4 =	sld [smem:$0x3FFC];
	_ =	sdelay $0x3  }
0x95: {  	_ =	strace s4  }
0x96: {  	s4 =	sld [smem:$0x3FFD];
	_ =	sdelay $0x3  }
0x97: {  	_ =	strace s4  }
0x98: {  	_ =	strace $0x8FFFFFFF  }
0x99: {  	s19 =	sld [smem:$0x3FDB];
	_ =	sdelay $0x1  }
0x9a: {  	s5 =	simm.s32 $_scs_section_size  }
0x9b: {  	s6 =	simm.s32 $_size__tile_overlayer_lowered;
	s7 =	simm.s32 $_tile_overlayer_lowered  }
0x9c: {  	s22 =	simm.s32 $0x1BFF;
	s21 =	sshll.u32 s7, $0x1;
	s4 =	sadd.s32 s5, s19  }
0x9d: {  	s8 =	simm.s32 $0x0;
	s20 =	sshll.u32 s6, $0x1;
	s6 =	sadd.s32 s21, s4  }
0x9e: {  	[timem:s8], [sflag:s22] =	dma.local [hbm:s6], s20  }
0x9f: {  	_ =	swait.ge [sflag:s22], s20  }
0xa0: {  	s5 =	ssub.s32 $0x0, s20;
	[sflag:s22] =	ssyncset.done $0x0  }
0xa1: {  	[sflag:s22] =	ssyncadd.s32 s5;
	_ =	sdelay $0x1  }
0xa2: {  	s23 =	simm.s32 $0x1B8B  }
0xa3: {  	_ =	swait.ge [sflag:s23], $0x1  }
0xa4: {  	[sflag:s23] =	ssyncset.done $0x0  }
0xa5: {  	s25 =	simm.s32 $0x1B8E;
	s24 =	sld [smem:$0x3FFE];
	[sflag:s23] =	ssyncadd.s32 $0xFFFFFFFF  }
0xa6: {  	s26 =	simm.s32 $execute0_lowered;
	[smem:$0x3FD2] =	sst s25  }
0xa7: {  	s6 =	sshll.u32 s26, $0x1;
	_ =	strace $0x80000046;
	[dreg:$0x1] =	wrdreg $0xFFFFFFFF  }
0xa8: {  	s28 =	simm.s32 $_size_execute0_lowered;
	s4 =	sadd.s32 s4, s6;
	[dreg:$0x0] =	wrdreg $0x0  }
0xa9: {  	s6 =	sshll.u32 s28, $0x1;
	[dreg:$0x2] =	wrdreg s4  }
0xaa: {  	[dreg:$0x3] =	wrdreg s6  }
0xab: {  	[dreg:$0x4] =	wrdreg $0xC0  }
0xac: {  	_ =	task [dreg:s8], $0x5FFFF  }
0xad: {  	[dreg:$0x1] =	wrdreg $0xFFFFFFFF  }
0xae: {  	[dreg:$0x0] =	wrdreg $0x60  }
0xaf: {  	[dreg:$0x2] =	wrdreg s2  }
0xb0: {  	[dreg:$0x3] =	wrdreg s24  }
0xb1: {  	[dreg:$0x4] =	wrdreg s18  }
0xb2: {  	[dreg:$0x5] =	wrdreg $0x9  }
0xb3: {  	_ =	task.clear_ibuf [dreg:s8], $0x6FFFF;
	_ =	strace $0x90000046  }
0xb4: {  	s29 =	simm.s32 $0x9;
	_ =	strace $0x80000048  }
0xb5: {  	_ =	swait.ge [sflag:s29], $0x1  }
0xb6: {  	[sflag:s29] =	ssyncadd.s32 $0xFFFFFFFF  }
0xb7: {  	_ =	strace $0x90000048  }
0xb8: {  	_ =	sfence  }
0xb9: {  	s30 =	sld [smem:$0x0];
	_ =	sdelay $0x2  }
0xba: {  	s31 =	sshll.u32 s1, $0xD;
	s1 =	sshrl.u32 s1, $0x2  }
0xbb: {  	s3 =	sand.u32 $0x4000, s31;
	s1 =	sadd.s32 s1, s30  }
0xbc: {  	s0 =	sor.u32 s3, s0;
	s1 =	sshll.u32 s1, $0x11  }
0xbd: {  	s0 =	sor.u32 s1, s0  }
0xbe: {  	s0 =	sadd.s32 $0x8F2B, s0  }
0xbf: {  	[sflag:s0] =	ssyncadd.remote.s32 $0x1  }
0xc0: {  	_ =	sfence.sel $0xFFFF  }
0xc1: {  	[dreg:$0x0] =	wrdreg $0xFFFFFFFF;
	(pc) =	sbr.abs _section_cstart, $3  }
0xc2: {  	[dreg:$0x1] =	wrdreg $0xFFFFFFFF  }
0xc3: {  	_ =	task.clear_ibuf [dreg:s8], $0x2FFFF;
	_ =	strace $0x9FFFFFFF  }
0xc4: {  	(tm) =	ssettm $0x7FFFFFFF  }
0xc5: {  	_ =	shalt  }
tec
execute0_lowered:
.L_overlay_start_1:
0x0: {  	(tag) =	ssettag $0x1  }
0x1: {  	s1 =	rddreg [dreg:$0x0]  }
0x2: {  	s0 =	rddreg [dreg:$0x1]  }
0x3: {  	s2 =	srdreg.scid;
	s9 =	stileid.u32  }
0x4: {  	s4 =	rddreg [dreg:$0x2];
	s16 =	simm.s32 $0x4C00;
	s17 =	simm.s32 $0x5400  }
0x5: {  	s18 =	simm.s32 $0x5C00;
	s19 =	simm.s32 $0x6400;
	s20 =	simm.s32 $0x6C00  }
0x6: {  	s21 =	simm.s32 $0x7400;
	s22 =	simm.s32 $0x7C00;
	s28 =	simm.s32 $0xA400  }
0x7: {  	s29 =	simm.s32 $0xAC00;
	s30 =	simm.s32 $0xB400;
	s11 =	simm.s32 $0xBC00  }
0x8: {  	s12 =	simm.s32 $0xC400;
	s13 =	simm.s32 $0xCC00;
	s14 =	simm.s32 $0xD400  }
0x9: {  	s31 =	simm.s32 $0x5;
	s2 =	sand.u32 $0x1, s2;
	s3 =	sshll.u32 s9, $0x1  }
0xa: {  	s10 =	simm.s32 $0x0;
	s23 =	smul.u32 $0x4E200, s9;
	s5 =	sor.u32 s2, s3  }
0xb: {  	s3 =	simm.s32 $0x0;
	s6 =	ssub.s32 $0x2, s2;
	s2 =	smul.u32 $0x27100, s2  }
0xc: {  	s9 =	simm.s32 $0x1400;
	s7 =	smul.u32 $0x1388, s5;
	[smem:$0x7FF] =	sst s3  }
0xd: {  	s8 =	sshrl.u32 s6, $0x1;
	s5 =	smul.u32 $0x138800, s5;
	s26 =	sadd.s32 s23, s4  }
0xe: {  	s23 =	simm.s32 $0x8400;
	_ =	strace $0x80000047;
	s6 =	ssub.s32 s6, s8  }
0xf: {  	s8 =	simm.s32 $0x1;
	[dreg:$0x7] =	wrdreg s10;
	s7 =	sshrl.u32 s7, $0x3  }
0x10: {  	s5 =	sshrl.u32 s5, $0x3;
	s25 =	smax.u32 s6, $0x1;
	s6 =	simm.s32 $0x3  }
.Ltmp0:
0x11: {  	s0 =	sadd.s32 s0, s7;
	s24 =	sadd.s32 s4, s5;
	(pc) =	sbr.rel .LBB2_1-.Ltmp0, $4  }
0x12: {  	[dreg:$0x6] =	wrdreg s25;
	s7 =	sadd.s32 s2, s26;
	s25 =	simm.s32 $0x9400  }
0x13: {  	v2 =	vlaneseq.u32;
	s26 =	simm.s32 $0x9C00;
	s5 =	simm.s32 $0x15400;
	s2 =	simm.s32 $0x2  }
0x14: {  	vm0 =	vmmov $0xffff;
	v1 =	vshrl.u32 v2, $0x3;
	s4 =	simm.s32 $0x4;
	[dreg:$0x4] =	wrdreg s0;
	s0 =	sadd.s32 $0x26C00, s24  }
0x15: {  	v0 =	vand.u32 $0x7, v2;
	v2 =	vor.u32 $0x8, v2;
	v1 =	vmul.u32 $0x8, v1;
	s24 =	simm.s32 $0x8C00;
	[dreg:$0x5] =	wrdreg s0;
	s0 =	simm.s32 $0x6  }
.LBB2_10:
0x16: {  	_ =	swait.ge [sflag:s31], $0xA000  }
0x17: {  	[sflag:s31] =	ssyncset.done $0x0  }
0x18: {  	[sflag:s31] =	ssyncadd.s32 $0xFFFF6000  }
0x19: {  	v3 =	vld [tilespmem:$0x1360];
	_ =	sdelay $0x4  }
0x1a: {  	v4 =	vshll.u32 v3, $0x1  }
0x1b: {  	v3 =	vand.u32 $0x7, v3;
	v4 =	vand.u32 $0xFFFFFFF0, v4  }
0x1c: {  	v3 =	vor.u32 v3, v4  }
0x1d: {  	v4 =	vperm.xlane v3, v0;
	_ =	sdelay $0x1  }
0x1e: {  	v3 =	vperm.xlane v3, v2;
	v4 =	vadd.s32 v1, v4;
	_ =	sdelay $0x1  }
0x1f: {  	v3 =	vadd.s32 v1, v3;
	_ =	sdelay $0x2  }
0x20: {  	[tilespmem:s30], [sflag:$0x2] =	stream.indirect_vreg.gather [hbm4b:s1+s3], $0x80, v4, vm0, $0xb8;
	[tilespmem:$0x1F400] =	vst v63  }
0x21: {  	s11 =	simm.s32 $0xBC00  }
0x22: {  	[tilespmem:s11], [sflag:$0x2] =	stream.indirect_vreg.gather [hbm4b:s1+s3], $0x80, v3, vm0, $0xb8;
	[tilespmem:$0x1F400] =	vst v63  }
0x23: {  	v3 =	vld [tilespmem:$0x1370];
	_ =	sdelay $0x4  }
0x24: {  	v62 =	vshll.u32 v3, $0x1  }
0x25: {  	v3 =	vand.u32 $0x7, v3;
	v4 =	vand.u32 $0xFFFFFFF0, v62  }
0x26: {  	v3 =	vor.u32 v3, v4  }
0x27: {  	v4 =	vperm.xlane v3, v0;
	_ =	sdelay $0x1  }
0x28: {  	v3 =	vperm.xlane v3, v2;
	v4 =	vadd.s32 v1, v4;
	_ =	sdelay $0x1  }
0x29: {  	v3 =	vadd.s32 v1, v3;
	_ =	sdelay $0x1  }
0x2a: {  	s12 =	simm.s32 $0xC400  }
0x2b: {  	[tilespmem:s12], [sflag:$0x2] =	stream.indirect_vreg.gather [hbm4b:s1+s3], $0x80, v4, vm0, $0xb8;
	[tilespmem:$0x1F400] =	vst v63  }
0x2c: {  	s13 =	simm.s32 $0xCC00  }
0x2d: {  	[tilespmem:s13], [sflag:$0x2] =	stream.indirect_vreg.gather [hbm4b:s1+s3], $0x80, v3, vm0, $0xb8;
	[tilespmem:$0x1F400] =	vst v63  }
0x2e: {  	v3 =	vld.msk [tilespmem:$0x1380], $0xff;
	_ =	sdelay $0x4  }
0x2f: {  	v63 =	vshll.u32 v3, $0x1  }
0x30: {  	v3 =	vand.u32 $0x7, v3;
	v4 =	vand.u32 $0xFFFFFFF0, v63  }
0x31: {  	v3 =	vor.u32 v3, v4  }
0x32: {  	v3 =	vperm.xlane v3, v0;
	_ =	sdelay $0x1  }
0x33: {  	v3 =	vadd.s32 v1, v3;
	_ =	sdelay $0x4  }
0x34: {  	[tilespmem:s14], [sflag:$0x2] =	stream.indirect_vreg.gather [hbm4b:s1+s3], $0x80, v3, vm0, $0xb8;
	[tilespmem:$0x1F400] =	vst v63  }
0x35: {  	_ =	swait.ge [sflag:s2], $0x2800  }
0x36: {  	[sflag:s2] =	ssyncset.done $0x0  }
0x37: {  	s10 =	rddreg [dreg:$0x5];
	[sflag:s2] =	ssyncadd.s32 $0xFFFFD800  }
0x38: {  	[hbm4b:s10+s3] =	stream.linear.scatter [tilespmem:s30], [sflag:$0x5], $0x2800, $0x38;
	[tilespmem:$0x1F400] =	vst v63  }
0x39: {  	_ =	swait.ge [sflag:s0], $0xA000  }
0x3a: {  	[sflag:s0] =	ssyncset.done $0x0  }
0x3b: {  	[sflag:s0] =	ssyncadd.s32 $0xFFFF6000  }
0x3c: {  	_ =	swait.ge [sflag:s4], $0xA000  }
0x3d: {  	[sflag:s4] =	ssyncset.done $0x0  }
0x3e: {  	[sflag:s4] =	ssyncadd.s32 $0xFFFF6000  }
0x3f: {  	_ =	swait.ge [sflag:s31], $0x2800  }
0x40: {  	s15 =	rddreg [dreg:$0x7]  }
0x41: {  	s10 =	rddreg [dreg:$0x6];
	s15 =	sadd.s32 $0x1, s15  }
0x42: {  	p0 =	sne.s32 s15, s10  }
.Ltmp1:
0x43: {  	_ = 	snop;
	(pc) =	sbr.rel @!p0 .LBB2_11-.Ltmp1, $3  }
0x44: {  	_ =	sdelay $0x1  }
0x45: {  	[sflag:s31] =	ssyncset.done $0x0  }
0x46: {  	[sflag:s31] =	ssyncadd.s32 $0xFFFFD800;
	[dreg:$0x7] =	wrdreg s15  }
.LBB2_1:
0x47: {  	s10 =	rddreg [dreg:$0x4];
	s15 =	simm.s32 $0x7  }
0x48: {  	[tilespmem:s3], [sflag:$0x7] =	stream.linear.gather [hbm4b:s10+s3], $0x1388, $0x38;
	[tilespmem:$0x1F400] =	vst v63  }
0x49: {  	_ =	swait.ge [sflag:s15], $0x1388  }
0x4a: {  	[sflag:s15] =	ssyncset.done $0x0  }
0x4b: {  	[sflag:s15] =	ssyncadd.s32 $0xFFFFEC78  }
0x4c: {  	v3 =	vld [tilespmem:$0x0];
	_ =	sdelay $0x4  }
0x4d: {  	v4 =	vshll.u32 v3, $0x1  }
0x4e: {  	v3 =	vand.u32 $0x7, v3;
	v4 =	vand.u32 $0xFFFFFFF0, v4  }
0x4f: {  	v3 =	vor.u32 v3, v4  }
0x50: {  	v4 =	vperm.xlane v3, v0;
	_ =	sdelay $0x1  }
0x51: {  	v3 =	vperm.xlane v3, v2;
	v4 =	vadd.s32 v1, v4;
	_ =	sdelay $0x1  }
0x52: {  	v3 =	vadd.s32 v1, v3;
	_ =	sdelay $0x2  }
0x53: {  	[tilespmem:s9], [sflag:$0x1] =	stream.indirect_vreg.gather [hbm4b:s1+s3], $0x80, v4, vm0, $0xb8;
	[tilespmem:$0x1F400] =	vst v63  }
0x54: {  	s15 =	simm.s32 $0x1C00  }
0x55: {  	[tilespmem:s15], [sflag:$0x1] =	stream.indirect_vreg.gather [hbm4b:s1+s3], $0x80, v3, vm0, $0xb8;
	[tilespmem:$0x1F400] =	vst v63  }
0x56: {  	v3 =	vld [tilespmem:$0x10];
	_ =	sdelay $0x4  }
0x57: {  	v45 =	vshll.u32 v3, $0x1  }
0x58: {  	v3 =	vand.u32 $0x7, v3;
	v4 =	vand.u32 $0xFFFFFFF0, v45  }
0x59: {  	v3 =	vor.u32 v3, v4  }
0x5a: {  	v4 =	vperm.xlane v3, v0;
	_ =	sdelay $0x1  }
0x5b: {  	v3 =	vperm.xlane v3, v2;
	v4 =	vadd.s32 v1, v4;
	_ =	sdelay $0x1  }
0x5c: {  	v3 =	vadd.s32 v1, v3;
	_ =	sdelay $0x1  }
0x5d: {  	s15 =	simm.s32 $0x2400  }
0x5e: {  	[tilespmem:s15], [sflag:$0x1] =	stream.indirect_vreg.gather [hbm4b:s1+s3], $0x80, v4, vm0, $0xb8;
	[tilespmem:$0x1F400] =	vst v63  }
0x5f: {  	s15 =	simm.s32 $0x2C00  }
0x60: {  	[tilespmem:s15], [sflag:$0x1] =	stream.indirect_vreg.gather [hbm4b:s1+s3], $0x80, v3, vm0, $0xb8;
	[tilespmem:$0x1F400] =	vst v63  }
0x61: {  	v3 =	vld [tilespmem:$0x20];
	_ =	sdelay $0x4  }
0x62: {  	v46 =	vshll.u32 v3, $0x1  }
0x63: {  	v3 =	vand.u32 $0x7, v3;
	v4 =	vand.u32 $0xFFFFFFF0, v46  }
0x64: {  	v3 =	vor.u32 v3, v4  }
0x65: {  	v4 =	vperm.xlane v3, v0;
	_ =	sdelay $0x1  }
0x66: {  	v3 =	vperm.xlane v3, v2;
	v4 =	vadd.s32 v1, v4;
	_ =	sdelay $0x1  }
0x67: {  	v3 =	vadd.s32 v1, v3;
	_ =	sdelay $0x1  }
0x68: {  	s15 =	simm.s32 $0x3400  }
0x69: {  	[tilespmem:s15], [sflag:$0x1] =	stream.indirect_vreg.gather [hbm4b:s1+s3], $0x80, v4, vm0, $0xb8;
	[tilespmem:$0x1F400] =	vst v63  }
0x6a: {  	s15 =	simm.s32 $0x3C00  }
0x6b: {  	[tilespmem:s15], [sflag:$0x1] =	stream.indirect_vreg.gather [hbm4b:s1+s3], $0x80, v3, vm0, $0xb8;
	[tilespmem:$0x1F400] =	vst v63  }
0x6c: {  	v3 =	vld [tilespmem:$0x30];
	_ =	sdelay $0x4  }
0x6d: {  	v47 =	vshll.u32 v3, $0x1  }
0x6e: {  	v3 =	vand.u32 $0x7, v3;
	v4 =	vand.u32 $0xFFFFFFF0, v47  }
0x6f: {  	v3 =	vor.u32 v3, v4  }
0x70: {  	v4 =	vperm.xlane v3, v0;
	_ =	sdelay $0x1  }
0x71: {  	v3 =	vperm.xlane v3, v2;
	v4 =	vadd.s32 v1, v4;
	_ =	sdelay $0x1  }
0x72: {  	v3 =	vadd.s32 v1, v3;
	_ =	sdelay $0x1  }
0x73: {  	s15 =	simm.s32 $0x4400  }
0x74: {  	[tilespmem:s15], [sflag:$0x1] =	stream.indirect_vreg.gather [hbm4b:s1+s3], $0x80, v4, vm0, $0xb8;
	[tilespmem:$0x1F400] =	vst v63  }
0x75: {  	_ = 	snop  }
0x76: {  	[tilespmem:s16], [sflag:$0x1] =	stream.indirect_vreg.gather [hbm4b:s1+s3], $0x80, v3, vm0, $0xb8;
	[tilespmem:$0x1F400] =	vst v63  }
0x77: {  	v3 =	vld [tilespmem:$0x40];
	_ =	sdelay $0x4  }
0x78: {  	v48 =	vshll.u32 v3, $0x1  }
0x79: {  	v3 =	vand.u32 $0x7, v3;
	v4 =	vand.u32 $0xFFFFFFF0, v48  }
0x7a: {  	v3 =	vor.u32 v3, v4  }
0x7b: {  	v4 =	vperm.xlane v3, v0;
	_ =	sdelay $0x1  }
0x7c: {  	v3 =	vperm.xlane v3, v2;
	v4 =	vadd.s32 v1, v4;
	_ =	sdelay $0x1  }
0x7d: {  	v3 =	vadd.s32 v1, v3;
	_ =	sdelay $0x2  }
0x7e: {  	[tilespmem:s17], [sflag:$0x1] =	stream.indirect_vreg.gather [hbm4b:s1+s3], $0x80, v4, vm0, $0xb8;
	[tilespmem:$0x1F400] =	vst v63  }
0x7f: {  	_ = 	snop  }
0x80: {  	[tilespmem:s18], [sflag:$0x1] =	stream.indirect_vreg.gather [hbm4b:s1+s3], $0x80, v3, vm0, $0xb8;
	[tilespmem:$0x1F400] =	vst v63  }
0x81: {  	v3 =	vld [tilespmem:$0x50];
	_ =	sdelay $0x4  }
0x82: {  	v49 =	vshll.u32 v3, $0x1  }
0x83: {  	v3 =	vand.u32 $0x7, v3;
	v4 =	vand.u32 $0xFFFFFFF0, v49  }
0x84: {  	v3 =	vor.u32 v3, v4  }
0x85: {  	v4 =	vperm.xlane v3, v0;
	_ =	sdelay $0x1  }
0x86: {  	v3 =	vperm.xlane v3, v2;
	v4 =	vadd.s32 v1, v4;
	_ =	sdelay $0x1  }
0x87: {  	v3 =	vadd.s32 v1, v3;
	_ =	sdelay $0x2  }
0x88: {  	[tilespmem:s19], [sflag:$0x1] =	stream.indirect_vreg.gather [hbm4b:s1+s3], $0x80, v4, vm0, $0xb8;
	[tilespmem:$0x1F400] =	vst v63  }
0x89: {  	_ = 	snop  }
0x8a: {  	[tilespmem:s20], [sflag:$0x1] =	stream.indirect_vreg.gather [hbm4b:s1+s3], $0x80, v3, vm0, $0xb8;
	[tilespmem:$0x1F400] =	vst v63  }
0x8b: {  	v3 =	vld [tilespmem:$0x60];
	_ =	sdelay $0x4  }
0x8c: {  	v50 =	vshll.u32 v3, $0x1  }
0x8d: {  	v3 =	vand.u32 $0x7, v3;
	v4 =	vand.u32 $0xFFFFFFF0, v50  }
0x8e: {  	v3 =	vor.u32 v3, v4  }
0x8f: {  	v4 =	vperm.xlane v3, v0;
	_ =	sdelay $0x1  }
0x90: {  	v3 =	vperm.xlane v3, v2;
	v4 =	vadd.s32 v1, v4;
	_ =	sdelay $0x1  }
0x91: {  	v3 =	vadd.s32 v1, v3;
	_ =	sdelay $0x2  }
0x92: {  	[tilespmem:s21], [sflag:$0x1] =	stream.indirect_vreg.gather [hbm4b:s1+s3], $0x80, v4, vm0, $0xb8;
	[tilespmem:$0x1F400] =	vst v63  }
0x93: {  	_ = 	snop  }
0x94: {  	[tilespmem:s22], [sflag:$0x1] =	stream.indirect_vreg.gather [hbm4b:s1+s3], $0x80, v3, vm0, $0xb8;
	[tilespmem:$0x1F400] =	vst v63  }
0x95: {  	v3 =	vld [tilespmem:$0x70];
	_ =	sdelay $0x4  }
0x96: {  	v51 =	vshll.u32 v3, $0x1  }
0x97: {  	v3 =	vand.u32 $0x7, v3;
	v4 =	vand.u32 $0xFFFFFFF0, v51  }
0x98: {  	v3 =	vor.u32 v3, v4  }
0x99: {  	v4 =	vperm.xlane v3, v0;
	_ =	sdelay $0x1  }
0x9a: {  	v3 =	vperm.xlane v3, v2;
	v4 =	vadd.s32 v1, v4;
	_ =	sdelay $0x1  }
0x9b: {  	v3 =	vadd.s32 v1, v3;
	_ =	sdelay $0x2  }
0x9c: {  	[tilespmem:s23], [sflag:$0x1] =	stream.indirect_vreg.gather [hbm4b:s1+s3], $0x80, v4, vm0, $0xb8;
	[tilespmem:$0x1F400] =	vst v63  }
0x9d: {  	_ = 	snop  }
0x9e: {  	[tilespmem:s24], [sflag:$0x1] =	stream.indirect_vreg.gather [hbm4b:s1+s3], $0x80, v3, vm0, $0xb8;
	[tilespmem:$0x1F400] =	vst v63  }
0x9f: {  	v3 =	vld [tilespmem:$0x80];
	_ =	sdelay $0x4  }
0xa0: {  	v52 =	vshll.u32 v3, $0x1  }
0xa1: {  	v3 =	vand.u32 $0x7, v3;
	v4 =	vand.u32 $0xFFFFFFF0, v52  }
0xa2: {  	v3 =	vor.u32 v3, v4  }
0xa3: {  	v4 =	vperm.xlane v3, v0;
	_ =	sdelay $0x1  }
0xa4: {  	v3 =	vperm.xlane v3, v2;
	v4 =	vadd.s32 v1, v4;
	_ =	sdelay $0x1  }
0xa5: {  	v3 =	vadd.s32 v1, v3;
	_ =	sdelay $0x2  }
0xa6: {  	[tilespmem:s25], [sflag:$0x1] =	stream.indirect_vreg.gather [hbm4b:s1+s3], $0x80, v4, vm0, $0xb8;
	[tilespmem:$0x1F400] =	vst v63  }
0xa7: {  	_ = 	snop  }
0xa8: {  	[tilespmem:s26], [sflag:$0x1] =	stream.indirect_vreg.gather [hbm4b:s1+s3], $0x80, v3, vm0, $0xb8;
	[tilespmem:$0x1F400] =	vst v63  }
0xa9: {  	v3 =	vld [tilespmem:$0x90];
	_ =	sdelay $0x4  }
0xaa: {  	v53 =	vshll.u32 v3, $0x1  }
0xab: {  	v3 =	vand.u32 $0x7, v3;
	v4 =	vand.u32 $0xFFFFFFF0, v53  }
0xac: {  	v3 =	vor.u32 v3, v4  }
0xad: {  	v4 =	vperm.xlane v3, v0;
	_ =	sdelay $0x1  }
0xae: {  	v3 =	vperm.xlane v3, v2;
	v4 =	vadd.s32 v1, v4;
	_ =	sdelay $0x1  }
0xaf: {  	v3 =	vadd.s32 v1, v3;
	_ =	sdelay $0x2  }
0xb0: {  	[tilespmem:s28], [sflag:$0x1] =	stream.indirect_vreg.gather [hbm4b:s1+s3], $0x80, v4, vm0, $0xb8;
	[tilespmem:$0x1F400] =	vst v63  }
0xb1: {  	_ = 	snop  }
0xb2: {  	[tilespmem:s29], [sflag:$0x1] =	stream.indirect_vreg.gather [hbm4b:s1+s3], $0x80, v3, vm0, $0xb8;
	[tilespmem:$0x1F400] =	vst v63  }
0xb3: {  	v3 =	vld [tilespmem:$0xA0];
	_ =	sdelay $0x4  }
0xb4: {  	v54 =	vshll.u32 v3, $0x1  }
0xb5: {  	v3 =	vand.u32 $0x7, v3;
	v4 =	vand.u32 $0xFFFFFFF0, v54  }
0xb6: {  	v3 =	vor.u32 v3, v4  }
0xb7: {  	v4 =	vperm.xlane v3, v0;
	_ =	sdelay $0x1  }
0xb8: {  	v3 =	vperm.xlane v3, v2;
	v4 =	vadd.s32 v1, v4;
	_ =	sdelay $0x1  }
0xb9: {  	v3 =	vadd.s32 v1, v3;
	_ =	sdelay $0x2  }
0xba: {  	[tilespmem:s30], [sflag:$0x2] =	stream.indirect_vreg.gather [hbm4b:s1+s3], $0x80, v4, vm0, $0xb8;
	[tilespmem:$0x1F400] =	vst v63  }
0xbb: {  	_ = 	snop  }
0xbc: {  	[tilespmem:s11], [sflag:$0x2] =	stream.indirect_vreg.gather [hbm4b:s1+s3], $0x80, v3, vm0, $0xb8;
	[tilespmem:$0x1F400] =	vst v63  }
0xbd: {  	v3 =	vld [tilespmem:$0xB0];
	_ =	sdelay $0x4  }
0xbe: {  	v55 =	vshll.u32 v3, $0x1  }
0xbf: {  	v3 =	vand.u32 $0x7, v3;
	v4 =	vand.u32 $0xFFFFFFF0, v55  }
0xc0: {  	v3 =	vor.u32 v3, v4  }
0xc1: {  	v4 =	vperm.xlane v3, v0;
	_ =	sdelay $0x1  }
0xc2: {  	v3 =	vperm.xlane v3, v2;
	v4 =	vadd.s32 v1, v4;
	_ =	sdelay $0x1  }
0xc3: {  	v3 =	vadd.s32 v1, v3;
	_ =	sdelay $0x2  }
0xc4: {  	[tilespmem:s12], [sflag:$0x2] =	stream.indirect_vreg.gather [hbm4b:s1+s3], $0x80, v4, vm0, $0xb8;
	[tilespmem:$0x1F400] =	vst v63  }
0xc5: {  	_ = 	snop  }
0xc6: {  	[tilespmem:s13], [sflag:$0x2] =	stream.indirect_vreg.gather [hbm4b:s1+s3], $0x80, v3, vm0, $0xb8;
	[tilespmem:$0x1F400] =	vst v63  }
0xc7: {  	v3 =	vld [tilespmem:$0xC0];
	_ =	sdelay $0x4  }
0xc8: {  	v56 =	vshll.u32 v3, $0x1  }
0xc9: {  	v3 =	vand.u32 $0x7, v3;
	v4 =	vand.u32 $0xFFFFFFF0, v56  }
0xca: {  	v3 =	vor.u32 v3, v4  }
0xcb: {  	v4 =	vperm.xlane v3, v0;
	_ =	sdelay $0x1  }
0xcc: {  	v3 =	vperm.xlane v3, v2;
	v4 =	vadd.s32 v1, v4;
	_ =	sdelay $0x1  }
0xcd: {  	v3 =	vadd.s32 v1, v3;
	_ =	sdelay $0x2  }
0xce: {  	[tilespmem:s14], [sflag:$0x2] =	stream.indirect_vreg.gather [hbm4b:s1+s3], $0x80, v4, vm0, $0xb8;
	[tilespmem:$0x1F400] =	vst v63  }
0xcf: {  	s12 =	simm.s32 $0xDC00  }
0xd0: {  	[tilespmem:s12], [sflag:$0x2] =	stream.indirect_vreg.gather [hbm4b:s1+s3], $0x80, v3, vm0, $0xb8;
	[tilespmem:$0x1F400] =	vst v63  }
0xd1: {  	v3 =	vld [tilespmem:$0xD0];
	_ =	sdelay $0x4  }
0xd2: {  	v57 =	vshll.u32 v3, $0x1  }
0xd3: {  	v3 =	vand.u32 $0x7, v3;
	v4 =	vand.u32 $0xFFFFFFF0, v57  }
0xd4: {  	v3 =	vor.u32 v3, v4  }
0xd5: {  	v4 =	vperm.xlane v3, v0;
	_ =	sdelay $0x1  }
0xd6: {  	v3 =	vperm.xlane v3, v2;
	v4 =	vadd.s32 v1, v4;
	_ =	sdelay $0x1  }
0xd7: {  	v3 =	vadd.s32 v1, v3;
	_ =	sdelay $0x1  }
0xd8: {  	s13 =	simm.s32 $0xE400  }
0xd9: {  	[tilespmem:s13], [sflag:$0x2] =	stream.indirect_vreg.gather [hbm4b:s1+s3], $0x80, v4, vm0, $0xb8;
	[tilespmem:$0x1F400] =	vst v63  }
0xda: {  	s15 =	simm.s32 $0xEC00  }
0xdb: {  	[tilespmem:s15], [sflag:$0x2] =	stream.indirect_vreg.gather [hbm4b:s1+s3], $0x80, v3, vm0, $0xb8;
	[tilespmem:$0x1F400] =	vst v63  }
0xdc: {  	v3 =	vld [tilespmem:$0xE0];
	_ =	sdelay $0x4  }
0xdd: {  	v58 =	vshll.u32 v3, $0x1  }
0xde: {  	v3 =	vand.u32 $0x7, v3;
	v4 =	vand.u32 $0xFFFFFFF0, v58  }
0xdf: {  	v3 =	vor.u32 v3, v4  }
0xe0: {  	v4 =	vperm.xlane v3, v0;
	_ =	sdelay $0x1  }
0xe1: {  	v3 =	vperm.xlane v3, v2;
	v4 =	vadd.s32 v1, v4;
	_ =	sdelay $0x1  }
0xe2: {  	v3 =	vadd.s32 v1, v3;
	_ =	sdelay $0x1  }
0xe3: {  	s11 =	simm.s32 $0xF400  }
0xe4: {  	[tilespmem:s11], [sflag:$0x2] =	stream.indirect_vreg.gather [hbm4b:s1+s3], $0x80, v4, vm0, $0xb8;
	[tilespmem:$0x1F400] =	vst v63  }
0xe5: {  	s12 =	simm.s32 $0xFC00  }
0xe6: {  	[tilespmem:s12], [sflag:$0x2] =	stream.indirect_vreg.gather [hbm4b:s1+s3], $0x80, v3, vm0, $0xb8;
	[tilespmem:$0x1F400] =	vst v63  }
0xe7: {  	v3 =	vld [tilespmem:$0xF0];
	_ =	sdelay $0x4  }
0xe8: {  	v59 =	vshll.u32 v3, $0x1  }
0xe9: {  	v3 =	vand.u32 $0x7, v3;
	v4 =	vand.u32 $0xFFFFFFF0, v59  }
0xea: {  	v3 =	vor.u32 v3, v4  }
0xeb: {  	v4 =	vperm.xlane v3, v0;
	_ =	sdelay $0x1  }
0xec: {  	v3 =	vperm.xlane v3, v2;
	v4 =	vadd.s32 v1, v4;
	_ =	sdelay $0x1  }
0xed: {  	v3 =	vadd.s32 v1, v3;
	_ =	sdelay $0x1  }
0xee: {  	s13 =	simm.s32 $0x10400  }
0xef: {  	[tilespmem:s13], [sflag:$0x2] =	stream.indirect_vreg.gather [hbm4b:s1+s3], $0x80, v4, vm0, $0xb8;
	[tilespmem:$0x1F400] =	vst v63  }
0xf0: {  	s15 =	simm.s32 $0x10C00  }
0xf1: {  	[tilespmem:s15], [sflag:$0x2] =	stream.indirect_vreg.gather [hbm4b:s1+s3], $0x80, v3, vm0, $0xb8;
	[tilespmem:$0x1F400] =	vst v63  }
0xf2: {  	v3 =	vld [tilespmem:$0x100];
	_ =	sdelay $0x4  }
0xf3: {  	v60 =	vshll.u32 v3, $0x1  }
0xf4: {  	v3 =	vand.u32 $0x7, v3;
	v4 =	vand.u32 $0xFFFFFFF0, v60  }
0xf5: {  	v3 =	vor.u32 v3, v4  }
0xf6: {  	v4 =	vperm.xlane v3, v0;
	_ =	sdelay $0x1  }
0xf7: {  	v3 =	vperm.xlane v3, v2;
	v4 =	vadd.s32 v1, v4;
	_ =	sdelay $0x1  }
0xf8: {  	v3 =	vadd.s32 v1, v3;
	_ =	sdelay $0x1  }
0xf9: {  	s11 =	simm.s32 $0x11400  }
0xfa: {  	[tilespmem:s11], [sflag:$0x2] =	stream.indirect_vreg.gather [hbm4b:s1+s3], $0x80, v4, vm0, $0xb8;
	[tilespmem:$0x1F400] =	vst v63  }
0xfb: {  	s12 =	simm.s32 $0x11C00  }
0xfc: {  	[tilespmem:s12], [sflag:$0x2] =	stream.indirect_vreg.gather [hbm4b:s1+s3], $0x80, v3, vm0, $0xb8;
	[tilespmem:$0x1F400] =	vst v63  }
0xfd: {  	v3 =	vld [tilespmem:$0x110];
	_ =	sdelay $0x4  }
0xfe: {  	v61 =	vshll.u32 v3, $0x1  }
0xff: {  	v3 =	vand.u32 $0x7, v3;
	v4 =	vand.u32 $0xFFFFFFF0, v61  }
0x100: {  	v3 =	vor.u32 v3, v4  }
0x101: {  	v4 =	vperm.xlane v3, v0;
	_ =	sdelay $0x1  }
0x102: {  	v3 =	vperm.xlane v3, v2;
	v4 =	vadd.s32 v1, v4;
	_ =	sdelay $0x1  }
0x103: {  	v3 =	vadd.s32 v1, v3;
	_ =	sdelay $0x1  }
0x104: {  	s13 =	simm.s32 $0x12400  }
0x105: {  	[tilespmem:s13], [sflag:$0x2] =	stream.indirect_vreg.gather [hbm4b:s1+s3], $0x80, v4, vm0, $0xb8;
	[tilespmem:$0x1F400] =	vst v63  }
0x106: {  	s15 =	simm.s32 $0x12C00  }
0x107: {  	[tilespmem:s15], [sflag:$0x2] =	stream.indirect_vreg.gather [hbm4b:s1+s3], $0x80, v3, vm0, $0xb8;
	[tilespmem:$0x1F400] =	vst v63  }
0x108: {  	v3 =	vld [tilespmem:$0x120];
	_ =	sdelay $0x4  }
0x109: {  	v62 =	vshll.u32 v3, $0x1  }
0x10a: {  	v3 =	vand.u32 $0x7, v3;
	v4 =	vand.u32 $0xFFFFFFF0, v62  }
0x10b: {  	v3 =	vor.u32 v3, v4  }
0x10c: {  	v4 =	vperm.xlane v3, v0;
	_ =	sdelay $0x1  }
0x10d: {  	v3 =	vperm.xlane v3, v2;
	v4 =	vadd.s32 v1, v4;
	_ =	sdelay $0x1  }
0x10e: {  	v3 =	vadd.s32 v1, v3;
	_ =	sdelay $0x1  }
0x10f: {  	s11 =	simm.s32 $0x13400  }
0x110: {  	[tilespmem:s11], [sflag:$0x2] =	stream.indirect_vreg.gather [hbm4b:s1+s3], $0x80, v4, vm0, $0xb8;
	[tilespmem:$0x1F400] =	vst v63  }
0x111: {  	s12 =	simm.s32 $0x13C00  }
0x112: {  	[tilespmem:s12], [sflag:$0x2] =	stream.indirect_vreg.gather [hbm4b:s1+s3], $0x80, v3, vm0, $0xb8;
	[tilespmem:$0x1F400] =	vst v63  }
0x113: {  	v3 =	vld [tilespmem:$0x130];
	_ =	sdelay $0x4  }
0x114: {  	v63 =	vshll.u32 v3, $0x1  }
0x115: {  	v3 =	vand.u32 $0x7, v3;
	v4 =	vand.u32 $0xFFFFFFF0, v63  }
0x116: {  	v3 =	vor.u32 v3, v4  }
0x117: {  	v4 =	vperm.xlane v3, v0;
	_ =	sdelay $0x1  }
0x118: {  	v3 =	vperm.xlane v3, v2;
	v4 =	vadd.s32 v1, v4;
	_ =	sdelay $0x1  }
0x119: {  	v3 =	vadd.s32 v1, v3  }
.Ltmp2:
0x11a: {  	_ = 	snop;
	(pc) =	sbr.rel .LBB2_2-.Ltmp2, $4  }
0x11b: {  	s10 =	simm.s32 $0x190;
	s13 =	simm.s32 $0x14400  }
0x11c: {  	[tilespmem:s13], [sflag:$0x2] =	stream.indirect_vreg.gather [hbm4b:s1+s3], $0x80, v4, vm0, $0xb8;
	[tilespmem:$0x1F400] =	vst v63  }
0x11d: {  	s15 =	simm.s32 $0x14C00;
	s11 =	simm.s32 $0x0;
	s12 =	simm.s32 $0x0  }
0x11e: {  	[tilespmem:s15], [sflag:$0x2] =	stream.indirect_vreg.gather [hbm4b:s1+s3], $0x80, v3, vm0, $0xb8;
	[tilespmem:$0x1F400] =	vst v63  }
.LBB2_9:
0x11f: {  	s11 =	sadd.s32 $0x3C00, s11  }
0x120: {  	p0 =	sne.s32 s11, $0x29400  }
.Ltmp3:
0x121: {  	_ = 	snop;
	(pc) =	sbr.rel @!p0 .LBB2_10-.Ltmp3, $4  }
0x122: {  	_ =	swait.ge [sflag:s6], $0xA000  }
0x123: {  	s13 =	sadd.s32 $0x2800, s13;
	s12 =	sadd.s32 $0x1, s12;
	[sflag:s6] =	ssyncset.done $0x0  }
0x124: {  	s10 =	sadd.s32 $0x1E0, s10;
	s14 =	simm.s32 $0xD400;
	[sflag:s6] =	ssyncadd.s32 $0xFFFF6000  }
0x125: {  	[hbm4b:s13+s3] =	stream.linear.scatter [tilespmem:s5], [sflag:$0x6], $0xA000, $0x38;
	[tilespmem:$0x1F400] =	vst v63  }
.LBB2_2:
0x126: {  	p0 =	seq.s32 s11, $0x0  }
.Ltmp4:
0x127: {  	_ = 	snop;
	(pc) =	sbr.rel @p0 .LBB2_5-.Ltmp4, $1  }
0x128: {  	_ =	sdelay $0x3  }
0x129: {  	p0 =	seq.s32 s11, $0x25800  }
.Ltmp5:
0x12a: {  	_ = 	snop;
	(pc) =	sbr.rel @p0 .LBB2_6-.Ltmp5, $1  }
0x12b: {  	_ =	sdelay $0x3  }
0x12c: {  	_ =	swait.ge [sflag:s0], $0xA000  }
0x12d: {  	[sflag:s0] =	ssyncset.done $0x0  }
0x12e: {  	[sflag:s0] =	ssyncadd.s32 $0xFFFF6000  }
.LBB2_5:
0x12f: {  	v3 =	vld [tilespmem:s10+$0xFFFFFFB0];
	_ =	sdelay $0x4  }
0x130: {  	v4 =	vshll.u32 v3, $0x1  }
0x131: {  	v3 =	vand.u32 $0x7, v3;
	v4 =	vand.u32 $0xFFFFFFF0, v4  }
0x132: {  	v3 =	vor.u32 v3, v4  }
0x133: {  	v4 =	vperm.xlane v3, v0;
	_ =	sdelay $0x1  }
0x134: {  	v3 =	vperm.xlane v3, v2;
	v4 =	vadd.s32 v1, v4;
	_ =	sdelay $0x1  }
0x135: {  	v3 =	vadd.s32 v1, v3;
	_ =	sdelay $0x2  }
0x136: {  	[tilespmem:s5], [sflag:$0x3] =	stream.indirect_vreg.gather [hbm4b:s1+s3], $0x80, v4, vm0, $0xb8;
	[tilespmem:$0x1F400] =	vst v63  }
0x137: {  	s13 =	simm.s32 $0x15C00  }
0x138: {  	[tilespmem:s13], [sflag:$0x3] =	stream.indirect_vreg.gather [hbm4b:s1+s3], $0x80, v3, vm0, $0xb8;
	[tilespmem:$0x1F400] =	vst v63  }
0x139: {  	v3 =	vld [tilespmem:s10+$0xFFFFFFC0];
	_ =	sdelay $0x4  }
0x13a: {  	v55 =	vshll.u32 v3, $0x1  }
0x13b: {  	v3 =	vand.u32 $0x7, v3;
	v4 =	vand.u32 $0xFFFFFFF0, v55  }
0x13c: {  	v3 =	vor.u32 v3, v4  }
0x13d: {  	v4 =	vperm.xlane v3, v0;
	_ =	sdelay $0x1  }
0x13e: {  	v3 =	vperm.xlane v3, v2;
	v4 =	vadd.s32 v1, v4;
	_ =	sdelay $0x1  }
0x13f: {  	v3 =	vadd.s32 v1, v3;
	_ =	sdelay $0x1  }
0x140: {  	s15 =	simm.s32 $0x16400  }
0x141: {  	[tilespmem:s15], [sflag:$0x3] =	stream.indirect_vreg.gather [hbm4b:s1+s3], $0x80, v4, vm0, $0xb8;
	[tilespmem:$0x1F400] =	vst v63  }
0x142: {  	s15 =	simm.s32 $0x16C00  }
0x143: {  	[tilespmem:s15], [sflag:$0x3] =	stream.indirect_vreg.gather [hbm4b:s1+s3], $0x80, v3, vm0, $0xb8;
	[tilespmem:$0x1F400] =	vst v63  }
0x144: {  	v3 =	vld [tilespmem:s10+$0xFFFFFFD0];
	_ =	sdelay $0x4  }
0x145: {  	v56 =	vshll.u32 v3, $0x1  }
0x146: {  	v3 =	vand.u32 $0x7, v3;
	v4 =	vand.u32 $0xFFFFFFF0, v56  }
0x147: {  	v3 =	vor.u32 v3, v4  }
0x148: {  	v4 =	vperm.xlane v3, v0;
	_ =	sdelay $0x1  }
0x149: {  	v3 =	vperm.xlane v3, v2;
	v4 =	vadd.s32 v1, v4;
	_ =	sdelay $0x1  }
0x14a: {  	v3 =	vadd.s32 v1, v3;
	_ =	sdelay $0x1  }
0x14b: {  	s15 =	simm.s32 $0x17400  }
0x14c: {  	[tilespmem:s15], [sflag:$0x3] =	stream.indirect_vreg.gather [hbm4b:s1+s3], $0x80, v4, vm0, $0xb8;
	[tilespmem:$0x1F400] =	vst v63  }
0x14d: {  	s15 =	simm.s32 $0x17C00  }
0x14e: {  	[tilespmem:s15], [sflag:$0x3] =	stream.indirect_vreg.gather [hbm4b:s1+s3], $0x80, v3, vm0, $0xb8;
	[tilespmem:$0x1F400] =	vst v63  }
0x14f: {  	v3 =	vld [tilespmem:s10+$0xFFFFFFE0];
	_ =	sdelay $0x4  }
0x150: {  	v57 =	vshll.u32 v3, $0x1  }
0x151: {  	v3 =	vand.u32 $0x7, v3;
	v4 =	vand.u32 $0xFFFFFFF0, v57  }
0x152: {  	v3 =	vor.u32 v3, v4  }
0x153: {  	v4 =	vperm.xlane v3, v0;
	_ =	sdelay $0x1  }
0x154: {  	v3 =	vperm.xlane v3, v2;
	v4 =	vadd.s32 v1, v4;
	_ =	sdelay $0x1  }
0x155: {  	v3 =	vadd.s32 v1, v3;
	_ =	sdelay $0x1  }
0x156: {  	s15 =	simm.s32 $0x18400  }
0x157: {  	[tilespmem:s15], [sflag:$0x3] =	stream.indirect_vreg.gather [hbm4b:s1+s3], $0x80, v4, vm0, $0xb8;
	[tilespmem:$0x1F400] =	vst v63  }
0x158: {  	s15 =	simm.s32 $0x18C00  }
0x159: {  	[tilespmem:s15], [sflag:$0x3] =	stream.indirect_vreg.gather [hbm4b:s1+s3], $0x80, v3, vm0, $0xb8;
	[tilespmem:$0x1F400] =	vst v63  }
0x15a: {  	v3 =	vld [tilespmem:s10+$0xFFFFFFF0];
	_ =	sdelay $0x4  }
0x15b: {  	v58 =	vshll.u32 v3, $0x1  }
0x15c: {  	v3 =	vand.u32 $0x7, v3;
	v4 =	vand.u32 $0xFFFFFFF0, v58  }
0x15d: {  	v3 =	vor.u32 v3, v4  }
0x15e: {  	v4 =	vperm.xlane v3, v0;
	_ =	sdelay $0x1  }
0x15f: {  	v3 =	vperm.xlane v3, v2;
	v4 =	vadd.s32 v1, v4;
	_ =	sdelay $0x1  }
0x160: {  	v3 =	vadd.s32 v1, v3;
	_ =	sdelay $0x1  }
0x161: {  	s15 =	simm.s32 $0x19400  }
0x162: {  	[tilespmem:s15], [sflag:$0x3] =	stream.indirect_vreg.gather [hbm4b:s1+s3], $0x80, v4, vm0, $0xb8;
	[tilespmem:$0x1F400] =	vst v63  }
0x163: {  	s15 =	simm.s32 $0x19C00  }
0x164: {  	[tilespmem:s15], [sflag:$0x3] =	stream.indirect_vreg.gather [hbm4b:s1+s3], $0x80, v3, vm0, $0xb8;
	[tilespmem:$0x1F400] =	vst v63  }
0x165: {  	v3 =	vld [tilespmem:s10+$0x0];
	_ =	sdelay $0x4  }
0x166: {  	v59 =	vshll.u32 v3, $0x1  }
0x167: {  	v3 =	vand.u32 $0x7, v3;
	v4 =	vand.u32 $0xFFFFFFF0, v59  }
0x168: {  	v3 =	vor.u32 v3, v4  }
0x169: {  	v4 =	vperm.xlane v3, v0;
	_ =	sdelay $0x1  }
0x16a: {  	v3 =	vperm.xlane v3, v2;
	v4 =	vadd.s32 v1, v4;
	_ =	sdelay $0x1  }
0x16b: {  	v3 =	vadd.s32 v1, v3;
	_ =	sdelay $0x1  }
0x16c: {  	s15 =	simm.s32 $0x1A400  }
0x16d: {  	[tilespmem:s15], [sflag:$0x3] =	stream.indirect_vreg.gather [hbm4b:s1+s3], $0x80, v4, vm0, $0xb8;
	[tilespmem:$0x1F400] =	vst v63  }
0x16e: {  	s15 =	simm.s32 $0x1AC00  }
0x16f: {  	[tilespmem:s15], [sflag:$0x3] =	stream.indirect_vreg.gather [hbm4b:s1+s3], $0x80, v3, vm0, $0xb8;
	[tilespmem:$0x1F400] =	vst v63  }
0x170: {  	v3 =	vld [tilespmem:s10+$0x10];
	_ =	sdelay $0x4  }
0x171: {  	v60 =	vshll.u32 v3, $0x1  }
0x172: {  	v3 =	vand.u32 $0x7, v3;
	v4 =	vand.u32 $0xFFFFFFF0, v60  }
0x173: {  	v3 =	vor.u32 v3, v4  }
0x174: {  	v4 =	vperm.xlane v3, v0;
	_ =	sdelay $0x1  }
0x175: {  	v3 =	vperm.xlane v3, v2;
	v4 =	vadd.s32 v1, v4;
	_ =	sdelay $0x1  }
0x176: {  	v3 =	vadd.s32 v1, v3;
	_ =	sdelay $0x1  }
0x177: {  	s15 =	simm.s32 $0x1B400  }
0x178: {  	[tilespmem:s15], [sflag:$0x3] =	stream.indirect_vreg.gather [hbm4b:s1+s3], $0x80, v4, vm0, $0xb8;
	[tilespmem:$0x1F400] =	vst v63  }
0x179: {  	s15 =	simm.s32 $0x1BC00  }
0x17a: {  	[tilespmem:s15], [sflag:$0x3] =	stream.indirect_vreg.gather [hbm4b:s1+s3], $0x80, v3, vm0, $0xb8;
	[tilespmem:$0x1F400] =	vst v63  }
0x17b: {  	v3 =	vld [tilespmem:s10+$0x20];
	_ =	sdelay $0x4  }
0x17c: {  	v61 =	vshll.u32 v3, $0x1  }
0x17d: {  	v3 =	vand.u32 $0x7, v3;
	v4 =	vand.u32 $0xFFFFFFF0, v61  }
0x17e: {  	v3 =	vor.u32 v3, v4  }
0x17f: {  	v4 =	vperm.xlane v3, v0;
	_ =	sdelay $0x1  }
0x180: {  	v3 =	vperm.xlane v3, v2;
	v4 =	vadd.s32 v1, v4;
	_ =	sdelay $0x1  }
0x181: {  	v3 =	vadd.s32 v1, v3;
	_ =	sdelay $0x1  }
0x182: {  	s15 =	simm.s32 $0x1C400  }
0x183: {  	[tilespmem:s15], [sflag:$0x3] =	stream.indirect_vreg.gather [hbm4b:s1+s3], $0x80, v4, vm0, $0xb8;
	[tilespmem:$0x1F400] =	vst v63  }
0x184: {  	s15 =	simm.s32 $0x1CC00  }
0x185: {  	[tilespmem:s15], [sflag:$0x3] =	stream.indirect_vreg.gather [hbm4b:s1+s3], $0x80, v3, vm0, $0xb8;
	[tilespmem:$0x1F400] =	vst v63  }
0x186: {  	v3 =	vld [tilespmem:s10+$0x30];
	_ =	sdelay $0x4  }
0x187: {  	v62 =	vshll.u32 v3, $0x1  }
0x188: {  	v3 =	vand.u32 $0x7, v3;
	v4 =	vand.u32 $0xFFFFFFF0, v62  }
0x189: {  	v3 =	vor.u32 v3, v4  }
0x18a: {  	v4 =	vperm.xlane v3, v0;
	_ =	sdelay $0x1  }
0x18b: {  	v3 =	vperm.xlane v3, v2;
	v4 =	vadd.s32 v1, v4;
	_ =	sdelay $0x1  }
0x18c: {  	v3 =	vadd.s32 v1, v3;
	_ =	sdelay $0x1  }
0x18d: {  	s15 =	simm.s32 $0x1D400  }
0x18e: {  	[tilespmem:s15], [sflag:$0x3] =	stream.indirect_vreg.gather [hbm4b:s1+s3], $0x80, v4, vm0, $0xb8;
	[tilespmem:$0x1F400] =	vst v63  }
0x18f: {  	s15 =	simm.s32 $0x1DC00  }
0x190: {  	[tilespmem:s15], [sflag:$0x3] =	stream.indirect_vreg.gather [hbm4b:s1+s3], $0x80, v3, vm0, $0xb8;
	[tilespmem:$0x1F400] =	vst v63  }
0x191: {  	v3 =	vld [tilespmem:s10+$0x40];
	_ =	sdelay $0x4  }
0x192: {  	v63 =	vshll.u32 v3, $0x1  }
0x193: {  	v3 =	vand.u32 $0x7, v3;
	v4 =	vand.u32 $0xFFFFFFF0, v63  }
0x194: {  	v3 =	vor.u32 v3, v4  }
0x195: {  	v4 =	vperm.xlane v3, v0;
	_ =	sdelay $0x1  }
0x196: {  	v3 =	vperm.xlane v3, v2;
	v4 =	vadd.s32 v1, v4;
	_ =	sdelay $0x1  }
0x197: {  	v3 =	vadd.s32 v1, v3;
	_ =	sdelay $0x1  }
0x198: {  	s15 =	simm.s32 $0x1E400  }
0x199: {  	[tilespmem:s15], [sflag:$0x3] =	stream.indirect_vreg.gather [hbm4b:s1+s3], $0x80, v4, vm0, $0xb8;
	[tilespmem:$0x1F400] =	vst v63  }
0x19a: {  	s15 =	simm.s32 $0x1EC00  }
0x19b: {  	[tilespmem:s15], [sflag:$0x3] =	stream.indirect_vreg.gather [hbm4b:s1+s3], $0x80, v3, vm0, $0xb8;
	[tilespmem:$0x1F400] =	vst v63  }
.LBB2_6:
0x19c: {  	p0 =	seq.s32 s11, $0x25800  }
.Ltmp6:
0x19d: {  	_ = 	snop;
	(pc) =	sbr.rel @p0 .LBB2_10-.Ltmp6, $4  }
0x19e: {  	_ =	swait.ge [sflag:s8], $0xA000  }
0x19f: {  	[sflag:s8] =	ssyncset.done $0x0  }
0x1a0: {  	s13 =	sadd.s32 s11, s7;
	[sflag:s8] =	ssyncadd.s32 $0xFFFF6000  }
0x1a1: {  	[hbm4b:s13+s3] =	stream.linear.scatter [tilespmem:s9], [sflag:$0x4], $0xA000, $0x38;
	[tilespmem:$0x1F400] =	vst v63  }
0x1a2: {  	_ =	swait.ge [sflag:s4], $0xA000  }
0x1a3: {  	[sflag:s4] =	ssyncset.done $0x0  }
0x1a4: {  	[sflag:s4] =	ssyncadd.s32 $0xFFFF6000  }
0x1a5: {  	v3 =	vld [tilespmem:s10+$0x50];
	_ =	sdelay $0x4  }
0x1a6: {  	v4 =	vshll.u32 v3, $0x1  }
0x1a7: {  	v3 =	vand.u32 $0x7, v3;
	v4 =	vand.u32 $0xFFFFFFF0, v4  }
0x1a8: {  	v3 =	vor.u32 v3, v4  }
0x1a9: {  	v4 =	vperm.xlane v3, v0;
	_ =	sdelay $0x1  }
0x1aa: {  	v3 =	vperm.xlane v3, v2;
	v4 =	vadd.s32 v1, v4;
	_ =	sdelay $0x1  }
0x1ab: {  	v3 =	vadd.s32 v1, v3;
	_ =	sdelay $0x2  }
0x1ac: {  	[tilespmem:s9], [sflag:$0x1] =	stream.indirect_vreg.gather [hbm4b:s1+s3], $0x80, v4, vm0, $0xb8;
	[tilespmem:$0x1F400] =	vst v63  }
0x1ad: {  	s14 =	simm.s32 $0x1C00  }
0x1ae: {  	[tilespmem:s14], [sflag:$0x1] =	stream.indirect_vreg.gather [hbm4b:s1+s3], $0x80, v3, vm0, $0xb8;
	[tilespmem:$0x1F400] =	vst v63  }
0x1af: {  	v3 =	vld [tilespmem:s10+$0x60];
	_ =	sdelay $0x4  }
0x1b0: {  	v55 =	vshll.u32 v3, $0x1  }
0x1b1: {  	v3 =	vand.u32 $0x7, v3;
	v4 =	vand.u32 $0xFFFFFFF0, v55  }
0x1b2: {  	v3 =	vor.u32 v3, v4  }
0x1b3: {  	v4 =	vperm.xlane v3, v0;
	_ =	sdelay $0x1  }
0x1b4: {  	v3 =	vperm.xlane v3, v2;
	v4 =	vadd.s32 v1, v4;
	_ =	sdelay $0x1  }
0x1b5: {  	v3 =	vadd.s32 v1, v3;
	_ =	sdelay $0x1  }
0x1b6: {  	s14 =	simm.s32 $0x2400  }
0x1b7: {  	[tilespmem:s14], [sflag:$0x1] =	stream.indirect_vreg.gather [hbm4b:s1+s3], $0x80, v4, vm0, $0xb8;
	[tilespmem:$0x1F400] =	vst v63  }
0x1b8: {  	s14 =	simm.s32 $0x2C00  }
0x1b9: {  	[tilespmem:s14], [sflag:$0x1] =	stream.indirect_vreg.gather [hbm4b:s1+s3], $0x80, v3, vm0, $0xb8;
	[tilespmem:$0x1F400] =	vst v63  }
0x1ba: {  	v3 =	vld [tilespmem:s10+$0x70];
	_ =	sdelay $0x4  }
0x1bb: {  	v56 =	vshll.u32 v3, $0x1  }
0x1bc: {  	v3 =	vand.u32 $0x7, v3;
	v4 =	vand.u32 $0xFFFFFFF0, v56  }
0x1bd: {  	v3 =	vor.u32 v3, v4  }
0x1be: {  	v4 =	vperm.xlane v3, v0;
	_ =	sdelay $0x1  }
0x1bf: {  	v3 =	vperm.xlane v3, v2;
	v4 =	vadd.s32 v1, v4;
	_ =	sdelay $0x1  }
0x1c0: {  	v3 =	vadd.s32 v1, v3;
	_ =	sdelay $0x1  }
0x1c1: {  	s14 =	simm.s32 $0x3400  }
0x1c2: {  	[tilespmem:s14], [sflag:$0x1] =	stream.indirect_vreg.gather [hbm4b:s1+s3], $0x80, v4, vm0, $0xb8;
	[tilespmem:$0x1F400] =	vst v63  }
0x1c3: {  	s14 =	simm.s32 $0x3C00  }
0x1c4: {  	[tilespmem:s14], [sflag:$0x1] =	stream.indirect_vreg.gather [hbm4b:s1+s3], $0x80, v3, vm0, $0xb8;
	[tilespmem:$0x1F400] =	vst v63  }
0x1c5: {  	v3 =	vld [tilespmem:s10+$0x80];
	_ =	sdelay $0x4  }
0x1c6: {  	v57 =	vshll.u32 v3, $0x1  }
0x1c7: {  	v3 =	vand.u32 $0x7, v3;
	v4 =	vand.u32 $0xFFFFFFF0, v57  }
0x1c8: {  	v3 =	vor.u32 v3, v4  }
0x1c9: {  	v4 =	vperm.xlane v3, v0;
	_ =	sdelay $0x1  }
0x1ca: {  	v3 =	vperm.xlane v3, v2;
	v4 =	vadd.s32 v1, v4;
	_ =	sdelay $0x1  }
0x1cb: {  	v3 =	vadd.s32 v1, v3;
	_ =	sdelay $0x1  }
0x1cc: {  	s14 =	simm.s32 $0x4400  }
0x1cd: {  	[tilespmem:s14], [sflag:$0x1] =	stream.indirect_vreg.gather [hbm4b:s1+s3], $0x80, v4, vm0, $0xb8;
	[tilespmem:$0x1F400] =	vst v63  }
0x1ce: {  	_ = 	snop  }
0x1cf: {  	[tilespmem:s16], [sflag:$0x1] =	stream.indirect_vreg.gather [hbm4b:s1+s3], $0x80, v3, vm0, $0xb8;
	[tilespmem:$0x1F400] =	vst v63  }
0x1d0: {  	v3 =	vld [tilespmem:s10+$0x90];
	_ =	sdelay $0x4  }
0x1d1: {  	v58 =	vshll.u32 v3, $0x1  }
0x1d2: {  	v3 =	vand.u32 $0x7, v3;
	v4 =	vand.u32 $0xFFFFFFF0, v58  }
0x1d3: {  	v3 =	vor.u32 v3, v4  }
0x1d4: {  	v4 =	vperm.xlane v3, v0;
	_ =	sdelay $0x1  }
0x1d5: {  	v3 =	vperm.xlane v3, v2;
	v4 =	vadd.s32 v1, v4;
	_ =	sdelay $0x1  }
0x1d6: {  	v3 =	vadd.s32 v1, v3;
	_ =	sdelay $0x2  }
0x1d7: {  	[tilespmem:s17], [sflag:$0x1] =	stream.indirect_vreg.gather [hbm4b:s1+s3], $0x80, v4, vm0, $0xb8;
	[tilespmem:$0x1F400] =	vst v63  }
0x1d8: {  	_ = 	snop  }
0x1d9: {  	[tilespmem:s18], [sflag:$0x1] =	stream.indirect_vreg.gather [hbm4b:s1+s3], $0x80, v3, vm0, $0xb8;
	[tilespmem:$0x1F400] =	vst v63  }
0x1da: {  	v3 =	vld [tilespmem:s10+$0xA0];
	_ =	sdelay $0x4  }
0x1db: {  	v59 =	vshll.u32 v3, $0x1  }
0x1dc: {  	v3 =	vand.u32 $0x7, v3;
	v4 =	vand.u32 $0xFFFFFFF0, v59  }
0x1dd: {  	v3 =	vor.u32 v3, v4  }
0x1de: {  	v4 =	vperm.xlane v3, v0;
	_ =	sdelay $0x1  }
0x1df: {  	v3 =	vperm.xlane v3, v2;
	v4 =	vadd.s32 v1, v4;
	_ =	sdelay $0x1  }
0x1e0: {  	v3 =	vadd.s32 v1, v3;
	_ =	sdelay $0x2  }
0x1e1: {  	[tilespmem:s19], [sflag:$0x1] =	stream.indirect_vreg.gather [hbm4b:s1+s3], $0x80, v4, vm0, $0xb8;
	[tilespmem:$0x1F400] =	vst v63  }
0x1e2: {  	_ = 	snop  }
0x1e3: {  	[tilespmem:s20], [sflag:$0x1] =	stream.indirect_vreg.gather [hbm4b:s1+s3], $0x80, v3, vm0, $0xb8;
	[tilespmem:$0x1F400] =	vst v63  }
0x1e4: {  	v3 =	vld [tilespmem:s10+$0xB0];
	_ =	sdelay $0x4  }
0x1e5: {  	v60 =	vshll.u32 v3, $0x1  }
0x1e6: {  	v3 =	vand.u32 $0x7, v3;
	v4 =	vand.u32 $0xFFFFFFF0, v60  }
0x1e7: {  	v3 =	vor.u32 v3, v4  }
0x1e8: {  	v4 =	vperm.xlane v3, v0;
	_ =	sdelay $0x1  }
0x1e9: {  	v3 =	vperm.xlane v3, v2;
	v4 =	vadd.s32 v1, v4;
	_ =	sdelay $0x1  }
0x1ea: {  	v3 =	vadd.s32 v1, v3;
	_ =	sdelay $0x2  }
0x1eb: {  	[tilespmem:s21], [sflag:$0x1] =	stream.indirect_vreg.gather [hbm4b:s1+s3], $0x80, v4, vm0, $0xb8;
	[tilespmem:$0x1F400] =	vst v63  }
0x1ec: {  	_ = 	snop  }
0x1ed: {  	[tilespmem:s22], [sflag:$0x1] =	stream.indirect_vreg.gather [hbm4b:s1+s3], $0x80, v3, vm0, $0xb8;
	[tilespmem:$0x1F400] =	vst v63  }
0x1ee: {  	v3 =	vld [tilespmem:s10+$0xC0];
	_ =	sdelay $0x4  }
0x1ef: {  	v61 =	vshll.u32 v3, $0x1  }
0x1f0: {  	v3 =	vand.u32 $0x7, v3;
	v4 =	vand.u32 $0xFFFFFFF0, v61  }
0x1f1: {  	v3 =	vor.u32 v3, v4  }
0x1f2: {  	v4 =	vperm.xlane v3, v0;
	_ =	sdelay $0x1  }
0x1f3: {  	v3 =	vperm.xlane v3, v2;
	v4 =	vadd.s32 v1, v4;
	_ =	sdelay $0x1  }
0x1f4: {  	v3 =	vadd.s32 v1, v3;
	_ =	sdelay $0x2  }
0x1f5: {  	[tilespmem:s23], [sflag:$0x1] =	stream.indirect_vreg.gather [hbm4b:s1+s3], $0x80, v4, vm0, $0xb8;
	[tilespmem:$0x1F400] =	vst v63  }
0x1f6: {  	_ = 	snop  }
0x1f7: {  	[tilespmem:s24], [sflag:$0x1] =	stream.indirect_vreg.gather [hbm4b:s1+s3], $0x80, v3, vm0, $0xb8;
	[tilespmem:$0x1F400] =	vst v63  }
0x1f8: {  	v3 =	vld [tilespmem:s10+$0xD0];
	_ =	sdelay $0x4  }
0x1f9: {  	v62 =	vshll.u32 v3, $0x1  }
0x1fa: {  	v3 =	vand.u32 $0x7, v3;
	v4 =	vand.u32 $0xFFFFFFF0, v62  }
0x1fb: {  	v3 =	vor.u32 v3, v4  }
0x1fc: {  	v4 =	vperm.xlane v3, v0;
	_ =	sdelay $0x1  }
0x1fd: {  	v3 =	vperm.xlane v3, v2;
	v4 =	vadd.s32 v1, v4;
	_ =	sdelay $0x1  }
0x1fe: {  	v3 =	vadd.s32 v1, v3;
	_ =	sdelay $0x2  }
0x1ff: {  	[tilespmem:s25], [sflag:$0x1] =	stream.indirect_vreg.gather [hbm4b:s1+s3], $0x80, v4, vm0, $0xb8;
	[tilespmem:$0x1F400] =	vst v63  }
0x200: {  	_ = 	snop  }
0x201: {  	[tilespmem:s26], [sflag:$0x1] =	stream.indirect_vreg.gather [hbm4b:s1+s3], $0x80, v3, vm0, $0xb8;
	[tilespmem:$0x1F400] =	vst v63  }
0x202: {  	v3 =	vld [tilespmem:s10+$0xE0];
	_ =	sdelay $0x4  }
0x203: {  	v63 =	vshll.u32 v3, $0x1  }
0x204: {  	v3 =	vand.u32 $0x7, v3;
	v4 =	vand.u32 $0xFFFFFFF0, v63  }
0x205: {  	v3 =	vor.u32 v3, v4  }
0x206: {  	v4 =	vperm.xlane v3, v0;
	_ =	sdelay $0x1  }
0x207: {  	v3 =	vperm.xlane v3, v2;
	v4 =	vadd.s32 v1, v4;
	_ =	sdelay $0x1  }
0x208: {  	v3 =	vadd.s32 v1, v3;
	_ =	sdelay $0x2  }
0x209: {  	[tilespmem:s28], [sflag:$0x1] =	stream.indirect_vreg.gather [hbm4b:s1+s3], $0x80, v4, vm0, $0xb8;
	[tilespmem:$0x1F400] =	vst v63  }
0x20a: {  	p0 =	sgt.u32 s12, $0x8  }
0x20b: {  	[tilespmem:s29], [sflag:$0x1] =	stream.indirect_vreg.gather [hbm4b:s1+s3], $0x80, v3, vm0, $0xb8;
	[tilespmem:$0x1F400] =	vst v63  }
.Ltmp7:
0x20c: {  	_ = 	snop;
	(pc) =	sbr.rel @p0 .LBB2_9-.Ltmp7, $4  }
0x20d: {  	_ =	swait.ge [sflag:s2], $0xA000  }
0x20e: {  	[sflag:s2] =	ssyncset.done $0x0  }
0x20f: {  	s15 =	simm.s32 $0xD400;
	s14 =	sadd.s32 $0x1400, s13;
	[sflag:s2] =	ssyncadd.s32 $0xFFFF6000  }
0x210: {  	[hbm4b:s14+s3] =	stream.linear.scatter [tilespmem:s30], [sflag:$0x5], $0xA000, $0x38;
	[tilespmem:$0x1F400] =	vst v63  }
0x211: {  	_ =	swait.ge [sflag:s31], $0xA000  }
0x212: {  	[sflag:s31] =	ssyncset.done $0x0  }
0x213: {  	[sflag:s31] =	ssyncadd.s32 $0xFFFF6000  }
0x214: {  	v3 =	vld [tilespmem:s10+$0xF0];
	_ =	sdelay $0x4  }
0x215: {  	v4 =	vshll.u32 v3, $0x1  }
0x216: {  	v3 =	vand.u32 $0x7, v3;
	v4 =	vand.u32 $0xFFFFFFF0, v4  }
0x217: {  	v3 =	vor.u32 v3, v4  }
0x218: {  	v4 =	vperm.xlane v3, v0;
	_ =	sdelay $0x1  }
0x219: {  	v3 =	vperm.xlane v3, v2;
	v4 =	vadd.s32 v1, v4;
	_ =	sdelay $0x1  }
0x21a: {  	v3 =	vadd.s32 v1, v3;
	_ =	sdelay $0x2  }
0x21b: {  	[tilespmem:s30], [sflag:$0x2] =	stream.indirect_vreg.gather [hbm4b:s1+s3], $0x80, v4, vm0, $0xb8;
	[tilespmem:$0x1F400] =	vst v63  }
0x21c: {  	s14 =	simm.s32 $0xBC00  }
0x21d: {  	[tilespmem:s14], [sflag:$0x2] =	stream.indirect_vreg.gather [hbm4b:s1+s3], $0x80, v3, vm0, $0xb8;
	[tilespmem:$0x1F400] =	vst v63  }
0x21e: {  	v3 =	vld [tilespmem:s10+$0x100];
	_ =	sdelay $0x4  }
0x21f: {  	v55 =	vshll.u32 v3, $0x1  }
0x220: {  	v3 =	vand.u32 $0x7, v3;
	v4 =	vand.u32 $0xFFFFFFF0, v55  }
0x221: {  	v3 =	vor.u32 v3, v4  }
0x222: {  	v4 =	vperm.xlane v3, v0;
	_ =	sdelay $0x1  }
0x223: {  	v3 =	vperm.xlane v3, v2;
	v4 =	vadd.s32 v1, v4;
	_ =	sdelay $0x1  }
0x224: {  	v3 =	vadd.s32 v1, v3;
	_ =	sdelay $0x1  }
0x225: {  	s14 =	simm.s32 $0xC400  }
0x226: {  	[tilespmem:s14], [sflag:$0x2] =	stream.indirect_vreg.gather [hbm4b:s1+s3], $0x80, v4, vm0, $0xb8;
	[tilespmem:$0x1F400] =	vst v63  }
0x227: {  	s14 =	simm.s32 $0xCC00  }
0x228: {  	[tilespmem:s14], [sflag:$0x2] =	stream.indirect_vreg.gather [hbm4b:s1+s3], $0x80, v3, vm0, $0xb8;
	[tilespmem:$0x1F400] =	vst v63  }
0x229: {  	v3 =	vld [tilespmem:s10+$0x110];
	_ =	sdelay $0x4  }
0x22a: {  	v56 =	vshll.u32 v3, $0x1  }
0x22b: {  	v3 =	vand.u32 $0x7, v3;
	v4 =	vand.u32 $0xFFFFFFF0, v56  }
0x22c: {  	v3 =	vor.u32 v3, v4  }
0x22d: {  	v4 =	vperm.xlane v3, v0;
	_ =	sdelay $0x1  }
0x22e: {  	v3 =	vperm.xlane v3, v2;
	v4 =	vadd.s32 v1, v4;
	_ =	sdelay $0x1  }
0x22f: {  	v3 =	vadd.s32 v1, v3;
	_ =	sdelay $0x2  }
0x230: {  	[tilespmem:s15], [sflag:$0x2] =	stream.indirect_vreg.gather [hbm4b:s1+s3], $0x80, v4, vm0, $0xb8;
	[tilespmem:$0x1F400] =	vst v63  }
0x231: {  	s15 =	simm.s32 $0xDC00  }
0x232: {  	[tilespmem:s15], [sflag:$0x2] =	stream.indirect_vreg.gather [hbm4b:s1+s3], $0x80, v3, vm0, $0xb8;
	[tilespmem:$0x1F400] =	vst v63  }
0x233: {  	v3 =	vld [tilespmem:s10+$0x120];
	_ =	sdelay $0x4  }
0x234: {  	v57 =	vshll.u32 v3, $0x1  }
0x235: {  	v3 =	vand.u32 $0x7, v3;
	v4 =	vand.u32 $0xFFFFFFF0, v57  }
0x236: {  	v3 =	vor.u32 v3, v4  }
0x237: {  	v4 =	vperm.xlane v3, v0;
	_ =	sdelay $0x1  }
0x238: {  	v3 =	vperm.xlane v3, v2;
	v4 =	vadd.s32 v1, v4;
	_ =	sdelay $0x1  }
0x239: {  	v3 =	vadd.s32 v1, v3;
	_ =	sdelay $0x1  }
0x23a: {  	s15 =	simm.s32 $0xE400  }
0x23b: {  	[tilespmem:s15], [sflag:$0x2] =	stream.indirect_vreg.gather [hbm4b:s1+s3], $0x80, v4, vm0, $0xb8;
	[tilespmem:$0x1F400] =	vst v63  }
0x23c: {  	s15 =	simm.s32 $0xEC00  }
0x23d: {  	[tilespmem:s15], [sflag:$0x2] =	stream.indirect_vreg.gather [hbm4b:s1+s3], $0x80, v3, vm0, $0xb8;
	[tilespmem:$0x1F400] =	vst v63  }
0x23e: {  	v3 =	vld [tilespmem:s10+$0x130];
	_ =	sdelay $0x4  }
0x23f: {  	v58 =	vshll.u32 v3, $0x1  }
0x240: {  	v3 =	vand.u32 $0x7, v3;
	v4 =	vand.u32 $0xFFFFFFF0, v58  }
0x241: {  	v3 =	vor.u32 v3, v4  }
0x242: {  	v4 =	vperm.xlane v3, v0;
	_ =	sdelay $0x1  }
0x243: {  	v3 =	vperm.xlane v3, v2;
	v4 =	vadd.s32 v1, v4;
	_ =	sdelay $0x1  }
0x244: {  	v3 =	vadd.s32 v1, v3;
	_ =	sdelay $0x1  }
0x245: {  	s15 =	simm.s32 $0xF400  }
0x246: {  	[tilespmem:s15], [sflag:$0x2] =	stream.indirect_vreg.gather [hbm4b:s1+s3], $0x80, v4, vm0, $0xb8;
	[tilespmem:$0x1F400] =	vst v63  }
0x247: {  	s15 =	simm.s32 $0xFC00  }
0x248: {  	[tilespmem:s15], [sflag:$0x2] =	stream.indirect_vreg.gather [hbm4b:s1+s3], $0x80, v3, vm0, $0xb8;
	[tilespmem:$0x1F400] =	vst v63  }
0x249: {  	v3 =	vld [tilespmem:s10+$0x140];
	_ =	sdelay $0x4  }
0x24a: {  	v59 =	vshll.u32 v3, $0x1  }
0x24b: {  	v3 =	vand.u32 $0x7, v3;
	v4 =	vand.u32 $0xFFFFFFF0, v59  }
0x24c: {  	v3 =	vor.u32 v3, v4  }
0x24d: {  	v4 =	vperm.xlane v3, v0;
	_ =	sdelay $0x1  }
0x24e: {  	v3 =	vperm.xlane v3, v2;
	v4 =	vadd.s32 v1, v4;
	_ =	sdelay $0x1  }
0x24f: {  	v3 =	vadd.s32 v1, v3;
	_ =	sdelay $0x1  }
0x250: {  	s15 =	simm.s32 $0x10400  }
0x251: {  	[tilespmem:s15], [sflag:$0x2] =	stream.indirect_vreg.gather [hbm4b:s1+s3], $0x80, v4, vm0, $0xb8;
	[tilespmem:$0x1F400] =	vst v63  }
0x252: {  	s15 =	simm.s32 $0x10C00  }
0x253: {  	[tilespmem:s15], [sflag:$0x2] =	stream.indirect_vreg.gather [hbm4b:s1+s3], $0x80, v3, vm0, $0xb8;
	[tilespmem:$0x1F400] =	vst v63  }
0x254: {  	v3 =	vld [tilespmem:s10+$0x150];
	_ =	sdelay $0x4  }
0x255: {  	v60 =	vshll.u32 v3, $0x1  }
0x256: {  	v3 =	vand.u32 $0x7, v3;
	v4 =	vand.u32 $0xFFFFFFF0, v60  }
0x257: {  	v3 =	vor.u32 v3, v4  }
0x258: {  	v4 =	vperm.xlane v3, v0;
	_ =	sdelay $0x1  }
0x259: {  	v3 =	vperm.xlane v3, v2;
	v4 =	vadd.s32 v1, v4;
	_ =	sdelay $0x1  }
0x25a: {  	v3 =	vadd.s32 v1, v3;
	_ =	sdelay $0x1  }
0x25b: {  	s15 =	simm.s32 $0x11400  }
0x25c: {  	[tilespmem:s15], [sflag:$0x2] =	stream.indirect_vreg.gather [hbm4b:s1+s3], $0x80, v4, vm0, $0xb8;
	[tilespmem:$0x1F400] =	vst v63  }
0x25d: {  	s15 =	simm.s32 $0x11C00  }
0x25e: {  	[tilespmem:s15], [sflag:$0x2] =	stream.indirect_vreg.gather [hbm4b:s1+s3], $0x80, v3, vm0, $0xb8;
	[tilespmem:$0x1F400] =	vst v63  }
0x25f: {  	v3 =	vld [tilespmem:s10+$0x160];
	_ =	sdelay $0x4  }
0x260: {  	v61 =	vshll.u32 v3, $0x1  }
0x261: {  	v3 =	vand.u32 $0x7, v3;
	v4 =	vand.u32 $0xFFFFFFF0, v61  }
0x262: {  	v3 =	vor.u32 v3, v4  }
0x263: {  	v4 =	vperm.xlane v3, v0;
	_ =	sdelay $0x1  }
0x264: {  	v3 =	vperm.xlane v3, v2;
	v4 =	vadd.s32 v1, v4;
	_ =	sdelay $0x1  }
0x265: {  	v3 =	vadd.s32 v1, v3;
	_ =	sdelay $0x1  }
0x266: {  	s15 =	simm.s32 $0x12400  }
0x267: {  	[tilespmem:s15], [sflag:$0x2] =	stream.indirect_vreg.gather [hbm4b:s1+s3], $0x80, v4, vm0, $0xb8;
	[tilespmem:$0x1F400] =	vst v63  }
0x268: {  	s15 =	simm.s32 $0x12C00  }
0x269: {  	[tilespmem:s15], [sflag:$0x2] =	stream.indirect_vreg.gather [hbm4b:s1+s3], $0x80, v3, vm0, $0xb8;
	[tilespmem:$0x1F400] =	vst v63  }
0x26a: {  	v3 =	vld [tilespmem:s10+$0x170];
	_ =	sdelay $0x4  }
0x26b: {  	v62 =	vshll.u32 v3, $0x1  }
0x26c: {  	v3 =	vand.u32 $0x7, v3;
	v4 =	vand.u32 $0xFFFFFFF0, v62  }
0x26d: {  	v3 =	vor.u32 v3, v4  }
0x26e: {  	v4 =	vperm.xlane v3, v0;
	_ =	sdelay $0x1  }
0x26f: {  	v3 =	vperm.xlane v3, v2;
	v4 =	vadd.s32 v1, v4;
	_ =	sdelay $0x1  }
0x270: {  	v3 =	vadd.s32 v1, v3;
	_ =	sdelay $0x1  }
0x271: {  	s15 =	simm.s32 $0x13400  }
0x272: {  	[tilespmem:s15], [sflag:$0x2] =	stream.indirect_vreg.gather [hbm4b:s1+s3], $0x80, v4, vm0, $0xb8;
	[tilespmem:$0x1F400] =	vst v63  }
0x273: {  	s15 =	simm.s32 $0x13C00  }
0x274: {  	[tilespmem:s15], [sflag:$0x2] =	stream.indirect_vreg.gather [hbm4b:s1+s3], $0x80, v3, vm0, $0xb8;
	[tilespmem:$0x1F400] =	vst v63  }
0x275: {  	v3 =	vld [tilespmem:s10+$0x180];
	_ =	sdelay $0x4  }
0x276: {  	v63 =	vshll.u32 v3, $0x1  }
0x277: {  	v3 =	vand.u32 $0x7, v3;
	v4 =	vand.u32 $0xFFFFFFF0, v63  }
0x278: {  	v3 =	vor.u32 v3, v4  }
0x279: {  	v4 =	vperm.xlane v3, v0;
	_ =	sdelay $0x1  }
0x27a: {  	v3 =	vperm.xlane v3, v2;
	v4 =	vadd.s32 v1, v4;
	_ =	sdelay $0x1  }
0x27b: {  	v3 =	vadd.s32 v1, v3  }
.Ltmp8:
0x27c: {  	_ = 	snop;
	(pc) =	sbr.rel .LBB2_9-.Ltmp8, $4  }
0x27d: {  	s15 =	simm.s32 $0x14400  }
0x27e: {  	[tilespmem:s15], [sflag:$0x2] =	stream.indirect_vreg.gather [hbm4b:s1+s3], $0x80, v4, vm0, $0xb8;
	[tilespmem:$0x1F400] =	vst v63  }
0x27f: {  	s15 =	simm.s32 $0x14C00  }
0x280: {  	[tilespmem:s15], [sflag:$0x2] =	stream.indirect_vreg.gather [hbm4b:s1+s3], $0x80, v3, vm0, $0xb8;
	[tilespmem:$0x1F400] =	vst v63  }
.LBB2_11:
0x281: {  	_ =	sfence.sel $0x180000  }
0x282: {  	[bflag:$0x0] =	sbarrier.arrive $0xFFFF  }
0x283: {  	_ =	strace $0x90000047  }
0x284: {  	s0 =	stileid.u32;
	[bflag:$0x2] =	sbarrier.arrive $0xFFFF  }
0x285: {  	p0 =	sne.s32 s0, $0x0;
	s0 =	rddreg [dreg:$0x3]  }
0x286: {  	s0 =	sadd.s32 @!p0 $0x100000, s0  }
0x287: {  	[sflag:s0] =	ssyncadd.tile.s32 @!p0 $0x1;
	_ =	shalt  }
.Lfunc_end2:
_tile_overlayer_lowered:
.L_overlay_start_2:
0x288: {  	(tag) =	ssettag $0x2  }
0x289: {  	s0 =	rddreg [dreg:$0x0];
	s2 =	stileid.u32  }
0x28a: {  	s1 =	rddreg [dreg:$0x1];
	p0 =	sne.s32 s2, $0x0  }
0x28b: {  	s3 =	rddreg [dreg:$0x2];
	[bflag:$0x3] =	sbarrier.arrive $0xFFFF;
	s2 =	simm.s32 @!p0 $0x1C07  }
0x28c: {  	[timem:s3], [sflag:s2] =	dma.local @!p0 [hbm:s0], s1  }
0x28d: {  	s0 =	simm.s32 @!p0 $0x7  }
0x28e: {  	_ =	swait.ge @!p0 [sflag:s0], s1  }
0x28f: {  	s1 =	ssub.s32 @!p0 $0x0, s1;
	[sflag:s0] =	ssyncset.done @!p0 $0x0  }
0x290: {  	[sflag:s0] =	ssyncadd.s32 @!p0 s1  }
0x291: {  	[bflag:$0x3] =	sbarrier.arrive $0xFFFF  }
0x292: {  	_ =	shalt  }

</sc_bundles>
